<compile_context>
chip_gen: v7x
topology: tpu7x:2x2x1
jax: 0.10.2.dev20260603
libtpu: 0.0.44.dev20260713+nightly
codegen_flags: <defaults>
</compile_context>

<pallas_src>
import functools
import math

import jax
import jax.numpy as jnp
from jax import lax
from jax.experimental import pallas as pl
from jax.experimental.pallas import tpu as pltpu
from jax.experimental.pallas import tpu_sc as plsc

D_MODEL = 2048
VOCAB = 100000
SCALE = math.sqrt(D_MODEL)

NC = 2
NS = 16
L = 16
NW = NC * NS

B_ROWS = 4
B_COLS = 4096
B_TOTAL = B_ROWS * B_COLS
B_PER_W = B_TOTAL // NW
C = 8
N_CHUNKS = B_PER_W // C
NBUF = 4
RING_ITERS = N_CHUNKS // NBUF
VECS = C * (D_MODEL // L)


def _rewrite_indices(xf):
    pos = jnp.arange(B_TOTAL, dtype=jnp.int32) % C
    prevv = jnp.roll(xf, 1)
    nextv = jnp.roll(xf, -1)
    eq_prev = (pos != 0) & (xf == prevv)
    eq_next = (pos != C - 1) & (xf == nextv)
    odd = (pos % 2) == 1
    modify = odd & (eq_prev | eq_next)

    c1 = (xf + 1) % VOCAB
    c2 = (xf + 2) % VOCAB
    c3 = (xf + 3) % VOCAB
    r = jnp.where(
        (c1 != prevv) & (c1 != nextv),
        c1,
        jnp.where((c2 != prevv) & (c2 != nextv), c2, c3),
    )
    new_idx = jnp.where(modify, r, xf)
    fix = jnp.where(
        modify, jnp.where(eq_prev, jnp.int32(-1), jnp.int32(1)), jnp.int32(0)
    )
    return new_idx, fix


def _sc_gather_scale(table, idx, fix):
    mesh = plsc.VectorSubcoreMesh(
        core_axis_name="c", subcore_axis_name="s", num_cores=NC, num_subcores=NS
    )

    @functools.partial(
        pl.kernel,
        out_type=jax.ShapeDtypeStruct((B_TOTAL, D_MODEL), jnp.float32),
        mesh=mesh,
        scratch_types=[
            pltpu.VMEM((B_PER_W,), jnp.int32),
            pltpu.VMEM((B_PER_W,), jnp.int32),
            [pltpu.VMEM((C, D_MODEL), jnp.float32) for _ in range(NBUF)],
            [pltpu.SemaphoreType.DMA for _ in range(NBUF)],
            [pltpu.SemaphoreType.DMA for _ in range(NBUF)],
        ],
    )
    def k(table_hbm, idx_hbm, fix_hbm, out_hbm, idx_v, fix_v, buf, gsem, ssem):
        wid = lax.axis_index("s") * NC + lax.axis_index("c")
        base = wid * B_PER_W
        pltpu.sync_copy(idx_hbm.at[wid], idx_v)
        pltpu.sync_copy(fix_hbm.at[wid], fix_v)

        def gather(j, b):
            pltpu.async_copy(
                table_hbm.at[idx_v.at[pl.ds(j * C, C)]], buf[b], gsem[b]
            )

        for b in range(NBUF - 1):
            gather(b, b)

        def step(t, j, b):
            pltpu.make_async_copy(
                table_hbm.at[idx_v.at[pl.ds(j * C, C)]], buf[b], gsem[b]
            ).wait()

            @plsc.parallel_loop(0, VECS, unroll=8)
            def _(i):
                r = lax.shift_right_logical(i, 7)
                col = pl.multiple_of(jnp.bitwise_and(i, 127) * L, L)
                sl = pl.ds(col, L)
                buf[b][r, sl] = buf[b][r, sl] * SCALE

            voff = pl.multiple_of((t * 2 + b // 2) * 16, 16)
            vfix = fix_v[pl.ds(voff, 16)]
            for tt in range(1, C, 2):
                f = vfix[(b % 2) * C + tt]

                @pl.when(f != 0)
                def _():
                    src = tt + f

                    def cp(kk, cc):
                        sl = pl.ds(pl.multiple_of(kk * L, L), L)
                        buf[b][tt, sl] = buf[b][src, sl]
                        return cc

                    lax.fori_loop(0, D_MODEL // L, cp, 0)

            pltpu.async_copy(buf[b], out_hbm.at[pl.ds(base + j * C, C)], ssem[b])

            bp = (b + 3) % NBUF
            @pl.when(j == 0)
            def _():
                gather(3, bp)

            @pl.when(jnp.logical_and(j >= 1, j + 3 < N_CHUNKS))
            def _():
                pltpu.make_async_copy(
                    buf[bp], out_hbm.at[pl.ds(base + (j - 1) * C, C)], ssem[bp]
                ).wait()
                gather(j + 3, bp)

        def outer(t, carry):
            for b in range(NBUF):
                step(t, t * NBUF + b, b)
            return carry

        lax.fori_loop(0, RING_ITERS, outer, 0)

        for q in range(NBUF):
            j = N_CHUNKS - NBUF + q
            pltpu.make_async_copy(
                buf[j % NBUF], out_hbm.at[pl.ds(base + j * C, C)], ssem[j % NBUF]
            ).wait()

    return k(table, idx, fix)


@jax.jit
def kernel(x, table):
    xf = x.reshape(B_TOTAL).astype(jnp.int32)
    new_idx, fix = _rewrite_indices(xf)
    out = _sc_gather_scale(
        table, new_idx.reshape(NW, B_PER_W), fix.reshape(NW, B_PER_W)
    )
    return out.reshape(x.shape[0], x.shape[1], D_MODEL)

# --- scband reference (transcript-rebuilt; emitter-appended) ---
"""Pipeline reference for scband-input-embedding-27341761806657 (READ-ONLY COPY).

The authoritative reference and input builder live on the scoring server;
editing this copy changes nothing except your own understanding.
"""

import jax, jax.numpy as jnp
import numpy as np
import math

D_MODEL = 2048
VOCAB = 100000

def setup_inputs(seed: int = 0) -> dict:
    key = jax.random.key(seed)
    k1, k2 = jax.random.split(key)
    x = jax.random.randint(k1, (4, 4096), 0, VOCAB, dtype=jnp.int64 if jax.config.jax_enable_x64 else jnp.int32)
    table = jax.random.normal(k2, (VOCAB, D_MODEL), dtype=jnp.float32)
    return {"x": x, "table": table}

def reference(x, table):
    # nn.Embedding lookup followed by sqrt(d_model) scaling
    emb = jnp.take(table, x, axis=0)
    return emb * math.sqrt(D_MODEL)

if __name__ == "__main__":
    import jax
    _d = setup_inputs()
    print(jax.jit(kernel)(*tuple(_d.values())))

</pallas_src>

<mosaic_0001>
#map = affine_map<(d0, d1) -> (0, 0)>
module attributes {stable_mosaic.version = 14 : i64} {
  func.func @k(%arg0: i32, %arg1: i32, %arg2: memref<100000x2048xf32, #tpu.memory_space<hbm>>, %arg3: memref<32x512xi32, #tpu.memory_space<hbm>>, %arg4: memref<32x512xi32, #tpu.memory_space<hbm>>, %arg5: memref<16384x2048xf32, #tpu.memory_space<hbm>>, %arg6: memref<512xi32, #tpu.memory_space<vmem>>, %arg7: memref<512xi32, #tpu.memory_space<vmem>>, %arg8: memref<8x2048xf32, #tpu.memory_space<vmem>>, %arg9: memref<8x2048xf32, #tpu.memory_space<vmem>>, %arg10: memref<8x2048xf32, #tpu.memory_space<vmem>>, %arg11: memref<8x2048xf32, #tpu.memory_space<vmem>>, %arg12: memref<!tpu.dma_semaphore, #tpu.memory_space<semaphore_mem>>, %arg13: memref<!tpu.dma_semaphore, #tpu.memory_space<semaphore_mem>>, %arg14: memref<!tpu.dma_semaphore, #tpu.memory_space<semaphore_mem>>, %arg15: memref<!tpu.dma_semaphore, #tpu.memory_space<semaphore_mem>>, %arg16: memref<!tpu.dma_semaphore, #tpu.memory_space<semaphore_mem>>, %arg17: memref<!tpu.dma_semaphore, #tpu.memory_space<semaphore_mem>>, %arg18: memref<!tpu.dma_semaphore, #tpu.memory_space<semaphore_mem>>, %arg19: memref<!tpu.dma_semaphore, #tpu.memory_space<semaphore_mem>>) attributes {dimension_semantics = [#tpu.dimension_semantics<core_parallel>, #tpu.dimension_semantics<subcore_parallel>], iteration_bounds = array<i64: 2, 16>, scalar_prefetch = 0 : i64, scratch_operands = 14 : i64, tpu.core_type = #tpu.core_type<sc_vector_subcore>, window_params = [{transform_indices = #map}, {transform_indices = #map}, {transform_indices = #map}, {transform_indices = #map}]} {
    %mul3A = arith.constant 2 : i32
    %mul3A_0 = arith.muli %arg1, %mul3A : i32
    %add3A = arith.addi %mul3A_0, %arg0 : i32
    %mul3A_1 = arith.constant 512 : i32
    %mul3A_2 = arith.muli %add3A, %mul3A_1 : i32
    "tpu.region"() ({
      %run_scoped3A = tpu.sem_alloc : memref<!tpu.dma_semaphore, #tpu.memory_space<semaphore_mem>>
      %dma_start3A_45 = arith.constant 0 : i32
      %dma_start3A_46 = tpu.memref_slice %arg3[%add3A, %dma_start3A_45] : memref<32x512xi32, #tpu.memory_space<hbm>> -> memref<1x512xi32, #tpu.memory_space<hbm>>
      %dma_start3A_47 = tpu.memref_squeeze %dma_start3A_46 : memref<1x512xi32, #tpu.memory_space<hbm>> -> memref<512xi32, #tpu.memory_space<hbm>>
      %dma_start3A_48 = arith.constant 0 : i32
      %dma_start3A_49 = tpu.memref_slice %arg3[%add3A, %dma_start3A_48] : memref<32x512xi32, #tpu.memory_space<hbm>> -> memref<1x512xi32, #tpu.memory_space<hbm>>
      %dma_start3A_50 = tpu.memref_squeeze %dma_start3A_49 : memref<1x512xi32, #tpu.memory_space<hbm>> -> memref<512xi32, #tpu.memory_space<hbm>>
      tpu.enqueue_dma source(%dma_start3A_50 : memref<512xi32, #tpu.memory_space<hbm>>) target(%arg6 : memref<512xi32, #tpu.memory_space<vmem>>) target_semaphore(%run_scoped3A : memref<!tpu.dma_semaphore, #tpu.memory_space<semaphore_mem>>)
      %dma_wait3A_51 = arith.constant 0 : i32
      %dma_wait3A_52 = tpu.memref_slice %arg3[%add3A, %dma_wait3A_51] : memref<32x512xi32, #tpu.memory_space<hbm>> -> memref<1x512xi32, #tpu.memory_space<hbm>>
      %dma_wait3A_53 = tpu.memref_squeeze %dma_wait3A_52 : memref<1x512xi32, #tpu.memory_space<hbm>> -> memref<512xi32, #tpu.memory_space<hbm>>
      %dma_wait3A_54 = arith.constant 0 : i32
      %dma_wait3A_55 = tpu.memref_slice %arg3[%add3A, %dma_wait3A_54] : memref<32x512xi32, #tpu.memory_space<hbm>> -> memref<1x512xi32, #tpu.memory_space<hbm>>
      %dma_wait3A_56 = tpu.memref_squeeze %dma_wait3A_55 : memref<1x512xi32, #tpu.memory_space<hbm>> -> memref<512xi32, #tpu.memory_space<hbm>>
      tpu.wait_dma2 semaphore(%run_scoped3A : memref<!tpu.dma_semaphore, #tpu.memory_space<semaphore_mem>>) src(%dma_wait3A_56 : memref<512xi32, #tpu.memory_space<hbm>>) dst(%arg6 : memref<512xi32, #tpu.memory_space<vmem>>)
      tpu.yield
    }) : () -> ()
    "tpu.region"() ({
      %run_scoped3A = tpu.sem_alloc : memref<!tpu.dma_semaphore, #tpu.memory_space<semaphore_mem>>
      %dma_start3A_45 = arith.constant 0 : i32
      %dma_start3A_46 = tpu.memref_slice %arg4[%add3A, %dma_start3A_45] : memref<32x512xi32, #tpu.memory_space<hbm>> -> memref<1x512xi32, #tpu.memory_space<hbm>>
      %dma_start3A_47 = tpu.memref_squeeze %dma_start3A_46 : memref<1x512xi32, #tpu.memory_space<hbm>> -> memref<512xi32, #tpu.memory_space<hbm>>
      %dma_start3A_48 = arith.constant 0 : i32
      %dma_start3A_49 = tpu.memref_slice %arg4[%add3A, %dma_start3A_48] : memref<32x512xi32, #tpu.memory_space<hbm>> -> memref<1x512xi32, #tpu.memory_space<hbm>>
      %dma_start3A_50 = tpu.memref_squeeze %dma_start3A_49 : memref<1x512xi32, #tpu.memory_space<hbm>> -> memref<512xi32, #tpu.memory_space<hbm>>
      tpu.enqueue_dma source(%dma_start3A_50 : memref<512xi32, #tpu.memory_space<hbm>>) target(%arg7 : memref<512xi32, #tpu.memory_space<vmem>>) target_semaphore(%run_scoped3A : memref<!tpu.dma_semaphore, #tpu.memory_space<semaphore_mem>>)
      %dma_wait3A_51 = arith.constant 0 : i32
      %dma_wait3A_52 = tpu.memref_slice %arg4[%add3A, %dma_wait3A_51] : memref<32x512xi32, #tpu.memory_space<hbm>> -> memref<1x512xi32, #tpu.memory_space<hbm>>
      %dma_wait3A_53 = tpu.memref_squeeze %dma_wait3A_52 : memref<1x512xi32, #tpu.memory_space<hbm>> -> memref<512xi32, #tpu.memory_space<hbm>>
      %dma_wait3A_54 = arith.constant 0 : i32
      %dma_wait3A_55 = tpu.memref_slice %arg4[%add3A, %dma_wait3A_54] : memref<32x512xi32, #tpu.memory_space<hbm>> -> memref<1x512xi32, #tpu.memory_space<hbm>>
      %dma_wait3A_56 = tpu.memref_squeeze %dma_wait3A_55 : memref<1x512xi32, #tpu.memory_space<hbm>> -> memref<512xi32, #tpu.memory_space<hbm>>
      tpu.wait_dma2 semaphore(%run_scoped3A : memref<!tpu.dma_semaphore, #tpu.memory_space<semaphore_mem>>) src(%dma_wait3A_56 : memref<512xi32, #tpu.memory_space<hbm>>) dst(%arg7 : memref<512xi32, #tpu.memory_space<vmem>>)
      tpu.yield
    }) : () -> ()
    %dma_start3A = arith.constant 0 : i32
    %dma_start3A_3 = tpu.memref_slice %arg6[%dma_start3A] : memref<512xi32, #tpu.memory_space<vmem>> -> memref<8xi32, #tpu.memory_space<vmem>>
    %dma_start3A_4 = arith.constant 0 : i32
    %dma_start3A_5 = arith.constant 0 : i32
    %dma_start3A_6 = tpu.memref_slice %arg2[%dma_start3A_4, %dma_start3A_5] : memref<100000x2048xf32, #tpu.memory_space<hbm>> -> memref<100000x2048xf32, #tpu.memory_space<hbm>>
    tpu.enqueue_indirect_dma source(%dma_start3A_6 : memref<100000x2048xf32, #tpu.memory_space<hbm>>) target(%arg8 : memref<8x2048xf32, #tpu.memory_space<vmem>>) offsets(%dma_start3A_3 : memref<8xi32, #tpu.memory_space<vmem>>) semaphore(%arg12 : memref<!tpu.dma_semaphore, #tpu.memory_space<semaphore_mem>>)
    %dma_start3A_7 = arith.constant 8 : i32
    %dma_start3A_8 = tpu.memref_slice %arg6[%dma_start3A_7] : memref<512xi32, #tpu.memory_space<vmem>> -> memref<8xi32, #tpu.memory_space<vmem>>
    %dma_start3A_9 = arith.constant 0 : i32
    %dma_start3A_10 = arith.constant 0 : i32
    %dma_start3A_11 = tpu.memref_slice %arg2[%dma_start3A_9, %dma_start3A_10] : memref<100000x2048xf32, #tpu.memory_space<hbm>> -> memref<100000x2048xf32, #tpu.memory_space<hbm>>
    tpu.enqueue_indirect_dma source(%dma_start3A_11 : memref<100000x2048xf32, #tpu.memory_space<hbm>>) target(%arg9 : memref<8x2048xf32, #tpu.memory_space<vmem>>) offsets(%dma_start3A_8 : memref<8xi32, #tpu.memory_space<vmem>>) semaphore(%arg13 : memref<!tpu.dma_semaphore, #tpu.memory_space<semaphore_mem>>)
    %dma_start3A_12 = arith.constant 16 : i32
    %dma_start3A_13 = tpu.memref_slice %arg6[%dma_start3A_12] : memref<512xi32, #tpu.memory_space<vmem>> -> memref<8xi32, #tpu.memory_space<vmem>>
    %dma_start3A_14 = arith.constant 0 : i32
    %dma_start3A_15 = arith.constant 0 : i32
    %dma_start3A_16 = tpu.memref_slice %arg2[%dma_start3A_14, %dma_start3A_15] : memref<100000x2048xf32, #tpu.memory_space<hbm>> -> memref<100000x2048xf32, #tpu.memory_space<hbm>>
    tpu.enqueue_indirect_dma source(%dma_start3A_16 : memref<100000x2048xf32, #tpu.memory_space<hbm>>) target(%arg10 : memref<8x2048xf32, #tpu.memory_space<vmem>>) offsets(%dma_start3A_13 : memref<8xi32, #tpu.memory_space<vmem>>) semaphore(%arg14 : memref<!tpu.dma_semaphore, #tpu.memory_space<semaphore_mem>>)
    %scan3A = arith.constant 0 : i32
    %scan3A_17 = arith.constant 0 : i32
    %scan3A_18 = arith.constant 16 : i32
    %scan3A_19 = arith.addi %scan3A_17, %scan3A_18 : i32
    %scan3A_20 = arith.constant 1 : i32
    scf.for %scan3A_45 = %scan3A_17 to %scan3A_19 step %scan3A_20  : i32 {
      %mul3A_46 = arith.constant 4 : i32
      %mul3A_47 = arith.muli %scan3A_45, %mul3A_46 : i32
      %add3A_48 = arith.constant 0 : i32
      %add3A_49 = arith.addi %mul3A_47, %add3A_48 : i32
      %mul3A_50 = arith.constant 8 : i32
      %mul3A_51 = arith.muli %add3A_49, %mul3A_50 : i32
      %dma_wait3A_52 = tpu.memref_slice %arg6[%mul3A_51] : memref<512xi32, #tpu.memory_space<vmem>> -> memref<8xi32, #tpu.memory_space<vmem>>
      %dma_wait3A_53 = arith.constant 0 : i32
      %dma_wait3A_54 = arith.constant 0 : i32
      %dma_wait3A_55 = tpu.memref_slice %arg2[%dma_wait3A_53, %dma_wait3A_54] : memref<100000x2048xf32, #tpu.memory_space<hbm>> -> memref<100000x2048xf32, #tpu.memory_space<hbm>>
      tpu.wait_indirect_dma semaphore(%arg12 : memref<!tpu.dma_semaphore, #tpu.memory_space<semaphore_mem>>) src(%dma_wait3A_55 : memref<100000x2048xf32, #tpu.memory_space<hbm>>) dst(%arg8 : memref<8x2048xf32, #tpu.memory_space<vmem>>)
      %parallel_loop3A = arith.constant 0 : i32
      %parallel_loop3A_56 = arith.constant 1024 : i32
      %parallel_loop3A_57 = arith.constant 1 : i32
      scf.for %parallel_loop3A_326 = %parallel_loop3A to %parallel_loop3A_56 step %parallel_loop3A_57  : i32 {
        %parallel_loop3A_327 = arith.constant 7 : i32
        %parallel_loop3A_328 = arith.shrui %parallel_loop3A_326, %parallel_loop3A_327 : i32
        %parallel_loop3A_329 = arith.constant 127 : i32
        %parallel_loop3A_330 = arith.andi %parallel_loop3A_326, %parallel_loop3A_329 : i32
        %parallel_loop3A_331 = arith.constant 16 : i32
        %parallel_loop3A_332 = arith.muli %parallel_loop3A_330, %parallel_loop3A_331 : i32
        %parallel_loop3A_333 = tpu.assume_multiple %parallel_loop3A_332, 16 : i32
        %parallel_loop3A_334 = arith.index_cast %parallel_loop3A_328 : i32 to index
        %parallel_loop3A_335 = arith.index_cast %parallel_loop3A_333 : i32 to index
        %parallel_loop3A_336 = tpu.vector_load %arg8[%parallel_loop3A_334, %parallel_loop3A_335] {strides = array<i32>} : memref<8x2048xf32, #tpu.memory_space<vmem>>, vector<1x16xf32>,
        %parallel_loop3A_337 = vector.shape_cast %parallel_loop3A_336 : vector<1x16xf32> to vector<16xf32>
        %parallel_loop3A_338 = arith.constant 45.2548332 : f32
        %parallel_loop3A_339 = vector.broadcast %parallel_loop3A_338 : f32 to vector<16xf32>
        %parallel_loop3A_340 = arith.mulf %parallel_loop3A_337, %parallel_loop3A_339 : vector<16xf32>
        %parallel_loop3A_341 = arith.index_cast %parallel_loop3A_328 : i32 to index
        %parallel_loop3A_342 = arith.index_cast %parallel_loop3A_333 : i32 to index
        %parallel_loop3A_343 = tpu.vector_load %arg8[%parallel_loop3A_341, %parallel_loop3A_342] {strides = array<i32>} : memref<8x2048xf32, #tpu.memory_space<vmem>>, vector<1x16xf32>,
        %parallel_loop3A_344 = vector.shape_cast %parallel_loop3A_343 : vector<1x16xf32> to vector<16xf32>
        %parallel_loop3A_345 = vector.shape_cast %parallel_loop3A_340 : vector<16xf32> to vector<1x16xf32>
        tpu.vector_store %arg8[%parallel_loop3A_341, %parallel_loop3A_342], %parallel_loop3A_345 {strides = array<i32>} : memref<8x2048xf32, #tpu.memory_space<vmem>>, vector<1x16xf32>,
      } {sc.loop_unroll_factor = 8 : i64, sc.parallel_access}
      %mul3A_58 = arith.constant 2 : i32
      %mul3A_59 = arith.muli %scan3A_45, %mul3A_58 : i32
      %add3A_60 = arith.constant 0 : i32
      %add3A_61 = arith.addi %mul3A_59, %add3A_60 : i32
      %mul3A_62 = arith.constant 16 : i32
      %mul3A_63 = arith.muli %add3A_61, %mul3A_62 : i32
      %multiple_of3A = tpu.assume_multiple %mul3A_63, 16 : i32
      %get3A = arith.index_cast %multiple_of3A : i32 to index
      %get3A_64 = tpu.vector_load %arg7[%get3A] {strides = array<i32>} : memref<512xi32, #tpu.memory_space<vmem>>, vector<16xi32>,
      %get3A_65 = vector.shape_cast %get3A_64 : vector<16xi32> to vector<16xi32>
      %slice3A = vector.extract_strided_slice %get3A_65 {offsets = [1], sizes = [1], strides = [1]} : vector<16xi32> to vector<1xi32>
      %squeeze3A = vector.extract %slice3A[0] : i32 from vector<1xi32>
      %ne3A = arith.constant 0 : i32
      %ne3A_66 = arith.cmpi ne, %squeeze3A, %ne3A : i32
      %convert_element_type3A = arith.extui %ne3A_66 : i1 to i32
      %cond3A = arith.constant 0 : i32
      %cond3A_67 = arith.cmpi ne, %convert_element_type3A, %cond3A : i32
      scf.if %cond3A_67 {
        %add3A_326 = arith.constant 1 : i32
        %add3A_327 = arith.addi %add3A_326, %squeeze3A : i32
        %scan3A_328 = arith.constant 0 : i32
        %scan3A_329 = arith.constant 0 : i32
        %scan3A_330 = arith.constant 128 : i32
        %scan3A_331 = arith.addi %scan3A_329, %scan3A_330 : i32
        %scan3A_332 = arith.constant 1 : i32
        scf.for %scan3A_334 = %scan3A_329 to %scan3A_331 step %scan3A_332  : i32 {
          %mul3A_335 = arith.constant 16 : i32
          %mul3A_336 = arith.muli %scan3A_334, %mul3A_335 : i32
          %multiple_of3A_337 = tpu.assume_multiple %mul3A_336, 16 : i32
          %get3A_338 = arith.index_cast %add3A_327 : i32 to index
          %get3A_339 = arith.index_cast %multiple_of3A_337 : i32 to index
          %get3A_340 = tpu.vector_load %arg8[%get3A_338, %get3A_339] {strides = array<i32>} : memref<8x2048xf32, #tpu.memory_space<vmem>>, vector<1x16xf32>,
          %get3A_341 = vector.shape_cast %get3A_340 : vector<1x16xf32> to vector<16xf32>
          %swap3A = arith.constant 1 : i32
          %swap3A_342 = arith.index_cast %swap3A : i32 to index
          %swap3A_343 = arith.index_cast %multiple_of3A_337 : i32 to index
          %swap3A_344 = tpu.vector_load %arg8[%swap3A_342, %swap3A_343] {strides = array<i32>} : memref<8x2048xf32, #tpu.memory_space<vmem>>, vector<1x16xf32>,
          %swap3A_345 = vector.shape_cast %swap3A_344 : vector<1x16xf32> to vector<16xf32>
          %swap3A_346 = vector.shape_cast %get3A_341 : vector<16xf32> to vector<1x16xf32>
          tpu.vector_store %arg8[%swap3A_342, %swap3A_343], %swap3A_346 {strides = array<i32>} : memref<8x2048xf32, #tpu.memory_space<vmem>>, vector<1x16xf32>,
        }
        %scan3A_333 = arith.constant 128 : i32
      } else {
      }
      %slice3A_68 = vector.extract_strided_slice %get3A_65 {offsets = [3], sizes = [1], strides = [1]} : vector<16xi32> to vector<1xi32>
      %squeeze3A_69 = vector.extract %slice3A_68[0] : i32 from vector<1xi32>
      %ne3A_70 = arith.constant 0 : i32
      %ne3A_71 = arith.cmpi ne, %squeeze3A_69, %ne3A_70 : i32
      %convert_element_type3A_72 = arith.extui %ne3A_71 : i1 to i32
      %cond3A_73 = arith.constant 0 : i32
      %cond3A_74 = arith.cmpi ne, %convert_element_type3A_72, %cond3A_73 : i32
      scf.if %cond3A_74 {
        %add3A_326 = arith.constant 3 : i32
        %add3A_327 = arith.addi %add3A_326, %squeeze3A_69 : i32
        %scan3A_328 = arith.constant 0 : i32
        %scan3A_329 = arith.constant 0 : i32
        %scan3A_330 = arith.constant 128 : i32
        %scan3A_331 = arith.addi %scan3A_329, %scan3A_330 : i32
        %scan3A_332 = arith.constant 1 : i32
        scf.for %scan3A_334 = %scan3A_329 to %scan3A_331 step %scan3A_332  : i32 {
          %mul3A_335 = arith.constant 16 : i32
          %mul3A_336 = arith.muli %scan3A_334, %mul3A_335 : i32
          %multiple_of3A_337 = tpu.assume_multiple %mul3A_336, 16 : i32
          %get3A_338 = arith.index_cast %add3A_327 : i32 to index
          %get3A_339 = arith.index_cast %multiple_of3A_337 : i32 to index
          %get3A_340 = tpu.vector_load %arg8[%get3A_338, %get3A_339] {strides = array<i32>} : memref<8x2048xf32, #tpu.memory_space<vmem>>, vector<1x16xf32>,
          %get3A_341 = vector.shape_cast %get3A_340 : vector<1x16xf32> to vector<16xf32>
          %swap3A = arith.constant 3 : i32
          %swap3A_342 = arith.index_cast %swap3A : i32 to index
          %swap3A_343 = arith.index_cast %multiple_of3A_337 : i32 to index
          %swap3A_344 = tpu.vector_load %arg8[%swap3A_342, %swap3A_343] {strides = array<i32>} : memref<8x2048xf32, #tpu.memory_space<vmem>>, vector<1x16xf32>,
          %swap3A_345 = vector.shape_cast %swap3A_344 : vector<1x16xf32> to vector<16xf32>
          %swap3A_346 = vector.shape_cast %get3A_341 : vector<16xf32> to vector<1x16xf32>
          tpu.vector_store %arg8[%swap3A_342, %swap3A_343], %swap3A_346 {strides = array<i32>} : memref<8x2048xf32, #tpu.memory_space<vmem>>, vector<1x16xf32>,
        }
        %scan3A_333 = arith.constant 128 : i32
      } else {
      }
      %slice3A_75 = vector.extract_strided_slice %get3A_65 {offsets = [5], sizes = [1], strides = [1]} : vector<16xi32> to vector<1xi32>
      %squeeze3A_76 = vector.extract %slice3A_75[0] : i32 from vector<1xi32>
      %ne3A_77 = arith.constant 0 : i32
      %ne3A_78 = arith.cmpi ne, %squeeze3A_76, %ne3A_77 : i32
      %convert_element_type3A_79 = arith.extui %ne3A_78 : i1 to i32
      %cond3A_80 = arith.constant 0 : i32
      %cond3A_81 = arith.cmpi ne, %convert_element_type3A_79, %cond3A_80 : i32
      scf.if %cond3A_81 {
        %add3A_326 = arith.constant 5 : i32
        %add3A_327 = arith.addi %add3A_326, %squeeze3A_76 : i32
        %scan3A_328 = arith.constant 0 : i32
        %scan3A_329 = arith.constant 0 : i32
        %scan3A_330 = arith.constant 128 : i32
        %scan3A_331 = arith.addi %scan3A_329, %scan3A_330 : i32
        %scan3A_332 = arith.constant 1 : i32
        scf.for %scan3A_334 = %scan3A_329 to %scan3A_331 step %scan3A_332  : i32 {
          %mul3A_335 = arith.constant 16 : i32
          %mul3A_336 = arith.muli %scan3A_334, %mul3A_335 : i32
          %multiple_of3A_337 = tpu.assume_multiple %mul3A_336, 16 : i32
          %get3A_338 = arith.index_cast %add3A_327 : i32 to index
          %get3A_339 = arith.index_cast %multiple_of3A_337 : i32 to index
          %get3A_340 = tpu.vector_load %arg8[%get3A_338, %get3A_339] {strides = array<i32>} : memref<8x2048xf32, #tpu.memory_space<vmem>>, vector<1x16xf32>,
          %get3A_341 = vector.shape_cast %get3A_340 : vector<1x16xf32> to vector<16xf32>
          %swap3A = arith.constant 5 : i32
          %swap3A_342 = arith.index_cast %swap3A : i32 to index
          %swap3A_343 = arith.index_cast %multiple_of3A_337 : i32 to index
          %swap3A_344 = tpu.vector_load %arg8[%swap3A_342, %swap3A_343] {strides = array<i32>} : memref<8x2048xf32, #tpu.memory_space<vmem>>, vector<1x16xf32>,
          %swap3A_345 = vector.shape_cast %swap3A_344 : vector<1x16xf32> to vector<16xf32>
          %swap3A_346 = vector.shape_cast %get3A_341 : vector<16xf32> to vector<1x16xf32>
          tpu.vector_store %arg8[%swap3A_342, %swap3A_343], %swap3A_346 {strides = array<i32>} : memref<8x2048xf32, #tpu.memory_space<vmem>>, vector<1x16xf32>,
        }
        %scan3A_333 = arith.constant 128 : i32
      } else {
      }
      %slice3A_82 = vector.extract_strided_slice %get3A_65 {offsets = [7], sizes = [1], strides = [1]} : vector<16xi32> to vector<1xi32>
      %squeeze3A_83 = vector.extract %slice3A_82[0] : i32 from vector<1xi32>
      %ne3A_84 = arith.constant 0 : i32
      %ne3A_85 = arith.cmpi ne, %squeeze3A_83, %ne3A_84 : i32
      %convert_element_type3A_86 = arith.extui %ne3A_85 : i1 to i32
      %cond3A_87 = arith.constant 0 : i32
      %cond3A_88 = arith.cmpi ne, %convert_element_type3A_86, %cond3A_87 : i32
      scf.if %cond3A_88 {
        %add3A_326 = arith.constant 7 : i32
        %add3A_327 = arith.addi %add3A_326, %squeeze3A_83 : i32
        %scan3A_328 = arith.constant 0 : i32
        %scan3A_329 = arith.constant 0 : i32
        %scan3A_330 = arith.constant 128 : i32
        %scan3A_331 = arith.addi %scan3A_329, %scan3A_330 : i32
        %scan3A_332 = arith.constant 1 : i32
        scf.for %scan3A_334 = %scan3A_329 to %scan3A_331 step %scan3A_332  : i32 {
          %mul3A_335 = arith.constant 16 : i32
          %mul3A_336 = arith.muli %scan3A_334, %mul3A_335 : i32
          %multiple_of3A_337 = tpu.assume_multiple %mul3A_336, 16 : i32
          %get3A_338 = arith.index_cast %add3A_327 : i32 to index
          %get3A_339 = arith.index_cast %multiple_of3A_337 : i32 to index
          %get3A_340 = tpu.vector_load %arg8[%get3A_338, %get3A_339] {strides = array<i32>} : memref<8x2048xf32, #tpu.memory_space<vmem>>, vector<1x16xf32>,
          %get3A_341 = vector.shape_cast %get3A_340 : vector<1x16xf32> to vector<16xf32>
          %swap3A = arith.constant 7 : i32
          %swap3A_342 = arith.index_cast %swap3A : i32 to index
          %swap3A_343 = arith.index_cast %multiple_of3A_337 : i32 to index
          %swap3A_344 = tpu.vector_load %arg8[%swap3A_342, %swap3A_343] {strides = array<i32>} : memref<8x2048xf32, #tpu.memory_space<vmem>>, vector<1x16xf32>,
          %swap3A_345 = vector.shape_cast %swap3A_344 : vector<1x16xf32> to vector<16xf32>
          %swap3A_346 = vector.shape_cast %get3A_341 : vector<16xf32> to vector<1x16xf32>
          tpu.vector_store %arg8[%swap3A_342, %swap3A_343], %swap3A_346 {strides = array<i32>} : memref<8x2048xf32, #tpu.memory_space<vmem>>, vector<1x16xf32>,
        }
        %scan3A_333 = arith.constant 128 : i32
      } else {
      }
      %mul3A_89 = arith.constant 8 : i32
      %mul3A_90 = arith.muli %add3A_49, %mul3A_89 : i32
      %add3A_91 = arith.addi %mul3A_2, %mul3A_90 : i32
      %dma_start3A_92 = arith.constant 0 : i32
      %dma_start3A_93 = tpu.memref_slice %arg5[%add3A_91, %dma_start3A_92] : memref<16384x2048xf32, #tpu.memory_space<hbm>> -> memref<8x2048xf32, #tpu.memory_space<hbm>>
      %dma_start3A_94 = arith.constant 0 : i32
      %dma_start3A_95 = tpu.memref_slice %arg5[%add3A_91, %dma_start3A_94] : memref<16384x2048xf32, #tpu.memory_space<hbm>> -> memref<8x2048xf32, #tpu.memory_space<hbm>>
      tpu.enqueue_dma source(%arg8 : memref<8x2048xf32, #tpu.memory_space<vmem>>) target(%dma_start3A_95 : memref<8x2048xf32, #tpu.memory_space<hbm>>) target_semaphore(%arg16 : memref<!tpu.dma_semaphore, #tpu.memory_space<semaphore_mem>>)
      %eq3A = arith.constant 0 : i32
      %eq3A_96 = arith.cmpi eq, %add3A_49, %eq3A : i32
      %convert_element_type3A_97 = arith.extui %eq3A_96 : i1 to i32
      %cond3A_98 = arith.constant 0 : i32
      %cond3A_99 = arith.cmpi ne, %convert_element_type3A_97, %cond3A_98 : i32
      scf.if %cond3A_99 {
        %dma_start3A_326 = arith.constant 24 : i32
        %dma_start3A_327 = tpu.memref_slice %arg6[%dma_start3A_326] : memref<512xi32, #tpu.memory_space<vmem>> -> memref<8xi32, #tpu.memory_space<vmem>>
        %dma_start3A_328 = arith.constant 0 : i32
        %dma_start3A_329 = arith.constant 0 : i32
        %dma_start3A_330 = tpu.memref_slice %arg2[%dma_start3A_328, %dma_start3A_329] : memref<100000x2048xf32, #tpu.memory_space<hbm>> -> memref<100000x2048xf32, #tpu.memory_space<hbm>>
        tpu.enqueue_indirect_dma source(%dma_start3A_330 : memref<100000x2048xf32, #tpu.memory_space<hbm>>) target(%arg11 : memref<8x2048xf32, #tpu.memory_space<vmem>>) offsets(%dma_start3A_327 : memref<8xi32, #tpu.memory_space<vmem>>) semaphore(%arg15 : memref<!tpu.dma_semaphore, #tpu.memory_space<semaphore_mem>>)
      } else {
      }
      %ge3A = arith.constant 1 : i32
      %ge3A_100 = arith.cmpi sge, %add3A_49, %ge3A : i32
      %add3A_101 = arith.constant 3 : i32
      %add3A_102 = arith.addi %add3A_49, %add3A_101 : i32
      %lt3A = arith.constant 64 : i32
      %lt3A_103 = arith.cmpi slt, %add3A_102, %lt3A : i32
      %and3A = arith.andi %ge3A_100, %lt3A_103 : i1
      %convert_element_type3A_104 = arith.extui %and3A : i1 to i32
      %cond3A_105 = arith.constant 0 : i32
      %cond3A_106 = arith.cmpi ne, %convert_element_type3A_104, %cond3A_105 : i32
      scf.if %cond3A_106 {
        %sub3A = arith.constant 1 : i32
        %sub3A_326 = arith.subi %add3A_49, %sub3A : i32
        %mul3A_327 = arith.constant 8 : i32
        %mul3A_328 = arith.muli %sub3A_326, %mul3A_327 : i32
        %add3A_329 = arith.addi %mul3A_2, %mul3A_328 : i32
        %dma_wait3A_330 = arith.constant 0 : i32
        %dma_wait3A_331 = tpu.memref_slice %arg5[%add3A_329, %dma_wait3A_330] : memref<16384x2048xf32, #tpu.memory_space<hbm>> -> memref<8x2048xf32, #tpu.memory_space<hbm>>
        %dma_wait3A_332 = arith.constant 0 : i32
        %dma_wait3A_333 = tpu.memref_slice %arg5[%add3A_329, %dma_wait3A_332] : memref<16384x2048xf32, #tpu.memory_space<hbm>> -> memref<8x2048xf32, #tpu.memory_space<hbm>>
        tpu.wait_dma2 semaphore(%arg19 : memref<!tpu.dma_semaphore, #tpu.memory_space<semaphore_mem>>) src(%arg11 : memref<8x2048xf32, #tpu.memory_space<vmem>>) dst(%dma_wait3A_333 : memref<8x2048xf32, #tpu.memory_space<hbm>>)
        %add3A_334 = arith.constant 3 : i32
        %add3A_335 = arith.addi %add3A_49, %add3A_334 : i32
        %mul3A_336 = arith.constant 8 : i32
        %mul3A_337 = arith.muli %add3A_335, %mul3A_336 : i32
        %dma_start3A_338 = tpu.memref_slice %arg6[%mul3A_337] : memref<512xi32, #tpu.memory_space<vmem>> -> memref<8xi32, #tpu.memory_space<vmem>>
        %dma_start3A_339 = arith.constant 0 : i32
        %dma_start3A_340 = arith.constant 0 : i32
        %dma_start3A_341 = tpu.memref_slice %arg2[%dma_start3A_339, %dma_start3A_340] : memref<100000x2048xf32, #tpu.memory_space<hbm>> -> memref<100000x2048xf32, #tpu.memory_space<hbm>>
        tpu.enqueue_indirect_dma source(%dma_start3A_341 : memref<100000x2048xf32, #tpu.memory_space<hbm>>) target(%arg11 : memref<8x2048xf32, #tpu.memory_space<vmem>>) offsets(%dma_start3A_338 : memref<8xi32, #tpu.memory_space<vmem>>) semaphore(%arg15 : memref<!tpu.dma_semaphore, #tpu.memory_space<semaphore_mem>>)
      } else {
      }
      %mul3A_107 = arith.constant 4 : i32
      %mul3A_108 = arith.muli %scan3A_45, %mul3A_107 : i32
      %add3A_109 = arith.constant 1 : i32
      %add3A_110 = arith.addi %mul3A_108, %add3A_109 : i32
      %mul3A_111 = arith.constant 8 : i32
      %mul3A_112 = arith.muli %add3A_110, %mul3A_111 : i32
      %dma_wait3A_113 = tpu.memref_slice %arg6[%mul3A_112] : memref<512xi32, #tpu.memory_space<vmem>> -> memref<8xi32, #tpu.memory_space<vmem>>
      %dma_wait3A_114 = arith.constant 0 : i32
      %dma_wait3A_115 = arith.constant 0 : i32
      %dma_wait3A_116 = tpu.memref_slice %arg2[%dma_wait3A_114, %dma_wait3A_115] : memref<100000x2048xf32, #tpu.memory_space<hbm>> -> memref<100000x2048xf32, #tpu.memory_space<hbm>>
      tpu.wait_indirect_dma semaphore(%arg13 : memref<!tpu.dma_semaphore, #tpu.memory_space<semaphore_mem>>) src(%dma_wait3A_116 : memref<100000x2048xf32, #tpu.memory_space<hbm>>) dst(%arg9 : memref<8x2048xf32, #tpu.memory_space<vmem>>)
      %parallel_loop3A_117 = arith.constant 0 : i32
      %parallel_loop3A_118 = arith.constant 1024 : i32
      %parallel_loop3A_119 = arith.constant 1 : i32
      scf.for %parallel_loop3A_326 = %parallel_loop3A_117 to %parallel_loop3A_118 step %parallel_loop3A_119  : i32 {
        %parallel_loop3A_327 = arith.constant 7 : i32
        %parallel_loop3A_328 = arith.shrui %parallel_loop3A_326, %parallel_loop3A_327 : i32
        %parallel_loop3A_329 = arith.constant 127 : i32
        %parallel_loop3A_330 = arith.andi %parallel_loop3A_326, %parallel_loop3A_329 : i32
        %parallel_loop3A_331 = arith.constant 16 : i32
        %parallel_loop3A_332 = arith.muli %parallel_loop3A_330, %parallel_loop3A_331 : i32
        %parallel_loop3A_333 = tpu.assume_multiple %parallel_loop3A_332, 16 : i32
        %parallel_loop3A_334 = arith.index_cast %parallel_loop3A_328 : i32 to index
        %parallel_loop3A_335 = arith.index_cast %parallel_loop3A_333 : i32 to index
        %parallel_loop3A_336 = tpu.vector_load %arg9[%parallel_loop3A_334, %parallel_loop3A_335] {strides = array<i32>} : memref<8x2048xf32, #tpu.memory_space<vmem>>, vector<1x16xf32>,
        %parallel_loop3A_337 = vector.shape_cast %parallel_loop3A_336 : vector<1x16xf32> to vector<16xf32>
        %parallel_loop3A_338 = arith.constant 45.2548332 : f32
        %parallel_loop3A_339 = vector.broadcast %parallel_loop3A_338 : f32 to vector<16xf32>
        %parallel_loop3A_340 = arith.mulf %parallel_loop3A_337, %parallel_loop3A_339 : vector<16xf32>
        %parallel_loop3A_341 = arith.index_cast %parallel_loop3A_328 : i32 to index
        %parallel_loop3A_342 = arith.index_cast %parallel_loop3A_333 : i32 to index
        %parallel_loop3A_343 = tpu.vector_load %arg9[%parallel_loop3A_341, %parallel_loop3A_342] {strides = array<i32>} : memref<8x2048xf32, #tpu.memory_space<vmem>>, vector<1x16xf32>,
        %parallel_loop3A_344 = vector.shape_cast %parallel_loop3A_343 : vector<1x16xf32> to vector<16xf32>
        %parallel_loop3A_345 = vector.shape_cast %parallel_loop3A_340 : vector<16xf32> to vector<1x16xf32>
        tpu.vector_store %arg9[%parallel_loop3A_341, %parallel_loop3A_342], %parallel_loop3A_345 {strides = array<i32>} : memref<8x2048xf32, #tpu.memory_space<vmem>>, vector<1x16xf32>,
      } {sc.loop_unroll_factor = 8 : i64, sc.parallel_access}
      %mul3A_120 = arith.constant 2 : i32
      %mul3A_121 = arith.muli %scan3A_45, %mul3A_120 : i32
      %add3A_122 = arith.constant 0 : i32
      %add3A_123 = arith.addi %mul3A_121, %add3A_122 : i32
      %mul3A_124 = arith.constant 16 : i32
      %mul3A_125 = arith.muli %add3A_123, %mul3A_124 : i32
      %multiple_of3A_126 = tpu.assume_multiple %mul3A_125, 16 : i32
      %get3A_127 = arith.index_cast %multiple_of3A_126 : i32 to index
      %get3A_128 = tpu.vector_load %arg7[%get3A_127] {strides = array<i32>} : memref<512xi32, #tpu.memory_space<vmem>>, vector<16xi32>,
      %get3A_129 = vector.shape_cast %get3A_128 : vector<16xi32> to vector<16xi32>
      %slice3A_130 = vector.extract_strided_slice %get3A_129 {offsets = [9], sizes = [1], strides = [1]} : vector<16xi32> to vector<1xi32>
      %squeeze3A_131 = vector.extract %slice3A_130[0] : i32 from vector<1xi32>
      %ne3A_132 = arith.constant 0 : i32
      %ne3A_133 = arith.cmpi ne, %squeeze3A_131, %ne3A_132 : i32
      %convert_element_type3A_134 = arith.extui %ne3A_133 : i1 to i32
      %cond3A_135 = arith.constant 0 : i32
      %cond3A_136 = arith.cmpi ne, %convert_element_type3A_134, %cond3A_135 : i32
      scf.if %cond3A_136 {
        %add3A_326 = arith.constant 1 : i32
        %add3A_327 = arith.addi %add3A_326, %squeeze3A_131 : i32
        %scan3A_328 = arith.constant 0 : i32
        %scan3A_329 = arith.constant 0 : i32
        %scan3A_330 = arith.constant 128 : i32
        %scan3A_331 = arith.addi %scan3A_329, %scan3A_330 : i32
        %scan3A_332 = arith.constant 1 : i32
        scf.for %scan3A_334 = %scan3A_329 to %scan3A_331 step %scan3A_332  : i32 {
          %mul3A_335 = arith.constant 16 : i32
          %mul3A_336 = arith.muli %scan3A_334, %mul3A_335 : i32
          %multiple_of3A_337 = tpu.assume_multiple %mul3A_336, 16 : i32
          %get3A_338 = arith.index_cast %add3A_327 : i32 to index
          %get3A_339 = arith.index_cast %multiple_of3A_337 : i32 to index
          %get3A_340 = tpu.vector_load %arg9[%get3A_338, %get3A_339] {strides = array<i32>} : memref<8x2048xf32, #tpu.memory_space<vmem>>, vector<1x16xf32>,
          %get3A_341 = vector.shape_cast %get3A_340 : vector<1x16xf32> to vector<16xf32>
          %swap3A = arith.constant 1 : i32
          %swap3A_342 = arith.index_cast %swap3A : i32 to index
          %swap3A_343 = arith.index_cast %multiple_of3A_337 : i32 to index
          %swap3A_344 = tpu.vector_load %arg9[%swap3A_342, %swap3A_343] {strides = array<i32>} : memref<8x2048xf32, #tpu.memory_space<vmem>>, vector<1x16xf32>,
          %swap3A_345 = vector.shape_cast %swap3A_344 : vector<1x16xf32> to vector<16xf32>
          %swap3A_346 = vector.shape_cast %get3A_341 : vector<16xf32> to vector<1x16xf32>
          tpu.vector_store %arg9[%swap3A_342, %swap3A_343], %swap3A_346 {strides = array<i32>} : memref<8x2048xf32, #tpu.memory_space<vmem>>, vector<1x16xf32>,
        }
        %scan3A_333 = arith.constant 128 : i32
      } else {
      }
      %slice3A_137 = vector.extract_strided_slice %get3A_129 {offsets = [11], sizes = [1], strides = [1]} : vector<16xi32> to vector<1xi32>
      %squeeze3A_138 = vector.extract %slice3A_137[0] : i32 from vector<1xi32>
      %ne3A_139 = arith.constant 0 : i32
      %ne3A_140 = arith.cmpi ne, %squeeze3A_138, %ne3A_139 : i32
      %convert_element_type3A_141 = arith.extui %ne3A_140 : i1 to i32
      %cond3A_142 = arith.constant 0 : i32
      %cond3A_143 = arith.cmpi ne, %convert_element_type3A_141, %cond3A_142 : i32
      scf.if %cond3A_143 {
        %add3A_326 = arith.constant 3 : i32
        %add3A_327 = arith.addi %add3A_326, %squeeze3A_138 : i32
        %scan3A_328 = arith.constant 0 : i32
        %scan3A_329 = arith.constant 0 : i32
        %scan3A_330 = arith.constant 128 : i32
        %scan3A_331 = arith.addi %scan3A_329, %scan3A_330 : i32
        %scan3A_332 = arith.constant 1 : i32
        scf.for %scan3A_334 = %scan3A_329 to %scan3A_331 step %scan3A_332  : i32 {
          %mul3A_335 = arith.constant 16 : i32
          %mul3A_336 = arith.muli %scan3A_334, %mul3A_335 : i32
          %multiple_of3A_337 = tpu.assume_multiple %mul3A_336, 16 : i32
          %get3A_338 = arith.index_cast %add3A_327 : i32 to index
          %get3A_339 = arith.index_cast %multiple_of3A_337 : i32 to index
          %get3A_340 = tpu.vector_load %arg9[%get3A_338, %get3A_339] {strides = array<i32>} : memref<8x2048xf32, #tpu.memory_space<vmem>>, vector<1x16xf32>,
          %get3A_341 = vector.shape_cast %get3A_340 : vector<1x16xf32> to vector<16xf32>
          %swap3A = arith.constant 3 : i32
          %swap3A_342 = arith.index_cast %swap3A : i32 to index
          %swap3A_343 = arith.index_cast %multiple_of3A_337 : i32 to index
          %swap3A_344 = tpu.vector_load %arg9[%swap3A_342, %swap3A_343] {strides = array<i32>} : memref<8x2048xf32, #tpu.memory_space<vmem>>, vector<1x16xf32>,
          %swap3A_345 = vector.shape_cast %swap3A_344 : vector<1x16xf32> to vector<16xf32>
          %swap3A_346 = vector.shape_cast %get3A_341 : vector<16xf32> to vector<1x16xf32>
          tpu.vector_store %arg9[%swap3A_342, %swap3A_343], %swap3A_346 {strides = array<i32>} : memref<8x2048xf32, #tpu.memory_space<vmem>>, vector<1x16xf32>,
        }
        %scan3A_333 = arith.constant 128 : i32
      } else {
      }
      %slice3A_144 = vector.extract_strided_slice %get3A_129 {offsets = [13], sizes = [1], strides = [1]} : vector<16xi32> to vector<1xi32>
      %squeeze3A_145 = vector.extract %slice3A_144[0] : i32 from vector<1xi32>
      %ne3A_146 = arith.constant 0 : i32
      %ne3A_147 = arith.cmpi ne, %squeeze3A_145, %ne3A_146 : i32
      %convert_element_type3A_148 = arith.extui %ne3A_147 : i1 to i32
      %cond3A_149 = arith.constant 0 : i32
      %cond3A_150 = arith.cmpi ne, %convert_element_type3A_148, %cond3A_149 : i32
      scf.if %cond3A_150 {
        %add3A_326 = arith.constant 5 : i32
        %add3A_327 = arith.addi %add3A_326, %squeeze3A_145 : i32
        %scan3A_328 = arith.constant 0 : i32
        %scan3A_329 = arith.constant 0 : i32
        %scan3A_330 = arith.constant 128 : i32
        %scan3A_331 = arith.addi %scan3A_329, %scan3A_330 : i32
        %scan3A_332 = arith.constant 1 : i32
        scf.for %scan3A_334 = %scan3A_329 to %scan3A_331 step %scan3A_332  : i32 {
          %mul3A_335 = arith.constant 16 : i32
          %mul3A_336 = arith.muli %scan3A_334, %mul3A_335 : i32
          %multiple_of3A_337 = tpu.assume_multiple %mul3A_336, 16 : i32
          %get3A_338 = arith.index_cast %add3A_327 : i32 to index
          %get3A_339 = arith.index_cast %multiple_of3A_337 : i32 to index
          %get3A_340 = tpu.vector_load %arg9[%get3A_338, %get3A_339] {strides = array<i32>} : memref<8x2048xf32, #tpu.memory_space<vmem>>, vector<1x16xf32>,
          %get3A_341 = vector.shape_cast %get3A_340 : vector<1x16xf32> to vector<16xf32>
          %swap3A = arith.constant 5 : i32
          %swap3A_342 = arith.index_cast %swap3A : i32 to index
          %swap3A_343 = arith.index_cast %multiple_of3A_337 : i32 to index
          %swap3A_344 = tpu.vector_load %arg9[%swap3A_342, %swap3A_343] {strides = array<i32>} : memref<8x2048xf32, #tpu.memory_space<vmem>>, vector<1x16xf32>,
          %swap3A_345 = vector.shape_cast %swap3A_344 : vector<1x16xf32> to vector<16xf32>
          %swap3A_346 = vector.shape_cast %get3A_341 : vector<16xf32> to vector<1x16xf32>
          tpu.vector_store %arg9[%swap3A_342, %swap3A_343], %swap3A_346 {strides = array<i32>} : memref<8x2048xf32, #tpu.memory_space<vmem>>, vector<1x16xf32>,
        }
        %scan3A_333 = arith.constant 128 : i32
      } else {
      }
      %slice3A_151 = vector.extract_strided_slice %get3A_129 {offsets = [15], sizes = [1], strides = [1]} : vector<16xi32> to vector<1xi32>
      %squeeze3A_152 = vector.extract %slice3A_151[0] : i32 from vector<1xi32>
      %ne3A_153 = arith.constant 0 : i32
      %ne3A_154 = arith.cmpi ne, %squeeze3A_152, %ne3A_153 : i32
      %convert_element_type3A_155 = arith.extui %ne3A_154 : i1 to i32
      %cond3A_156 = arith.constant 0 : i32
      %cond3A_157 = arith.cmpi ne, %convert_element_type3A_155, %cond3A_156 : i32
      scf.if %cond3A_157 {
        %add3A_326 = arith.constant 7 : i32
        %add3A_327 = arith.addi %add3A_326, %squeeze3A_152 : i32
        %scan3A_328 = arith.constant 0 : i32
        %scan3A_329 = arith.constant 0 : i32
        %scan3A_330 = arith.constant 128 : i32
        %scan3A_331 = arith.addi %scan3A_329, %scan3A_330 : i32
        %scan3A_332 = arith.constant 1 : i32
        scf.for %scan3A_334 = %scan3A_329 to %scan3A_331 step %scan3A_332  : i32 {
          %mul3A_335 = arith.constant 16 : i32
          %mul3A_336 = arith.muli %scan3A_334, %mul3A_335 : i32
          %multiple_of3A_337 = tpu.assume_multiple %mul3A_336, 16 : i32
          %get3A_338 = arith.index_cast %add3A_327 : i32 to index
          %get3A_339 = arith.index_cast %multiple_of3A_337 : i32 to index
          %get3A_340 = tpu.vector_load %arg9[%get3A_338, %get3A_339] {strides = array<i32>} : memref<8x2048xf32, #tpu.memory_space<vmem>>, vector<1x16xf32>,
          %get3A_341 = vector.shape_cast %get3A_340 : vector<1x16xf32> to vector<16xf32>
          %swap3A = arith.constant 7 : i32
          %swap3A_342 = arith.index_cast %swap3A : i32 to index
          %swap3A_343 = arith.index_cast %multiple_of3A_337 : i32 to index
          %swap3A_344 = tpu.vector_load %arg9[%swap3A_342, %swap3A_343] {strides = array<i32>} : memref<8x2048xf32, #tpu.memory_space<vmem>>, vector<1x16xf32>,
          %swap3A_345 = vector.shape_cast %swap3A_344 : vector<1x16xf32> to vector<16xf32>
          %swap3A_346 = vector.shape_cast %get3A_341 : vector<16xf32> to vector<1x16xf32>
          tpu.vector_store %arg9[%swap3A_342, %swap3A_343], %swap3A_346 {strides = array<i32>} : memref<8x2048xf32, #tpu.memory_space<vmem>>, vector<1x16xf32>,
        }
        %scan3A_333 = arith.constant 128 : i32
      } else {
      }
      %mul3A_158 = arith.constant 8 : i32
      %mul3A_159 = arith.muli %add3A_110, %mul3A_158 : i32
      %add3A_160 = arith.addi %mul3A_2, %mul3A_159 : i32
      %dma_start3A_161 = arith.constant 0 : i32
      %dma_start3A_162 = tpu.memref_slice %arg5[%add3A_160, %dma_start3A_161] : memref<16384x2048xf32, #tpu.memory_space<hbm>> -> memref<8x2048xf32, #tpu.memory_space<hbm>>
      %dma_start3A_163 = arith.constant 0 : i32
      %dma_start3A_164 = tpu.memref_slice %arg5[%add3A_160, %dma_start3A_163] : memref<16384x2048xf32, #tpu.memory_space<hbm>> -> memref<8x2048xf32, #tpu.memory_space<hbm>>
      tpu.enqueue_dma source(%arg9 : memref<8x2048xf32, #tpu.memory_space<vmem>>) target(%dma_start3A_164 : memref<8x2048xf32, #tpu.memory_space<hbm>>) target_semaphore(%arg17 : memref<!tpu.dma_semaphore, #tpu.memory_space<semaphore_mem>>)
      %eq3A_165 = arith.constant 0 : i32
      %eq3A_166 = arith.cmpi eq, %add3A_110, %eq3A_165 : i32
      %convert_element_type3A_167 = arith.extui %eq3A_166 : i1 to i32
      %cond3A_168 = arith.constant 0 : i32
      %cond3A_169 = arith.cmpi ne, %convert_element_type3A_167, %cond3A_168 : i32
      scf.if %cond3A_169 {
        %dma_start3A_326 = arith.constant 24 : i32
        %dma_start3A_327 = tpu.memref_slice %arg6[%dma_start3A_326] : memref<512xi32, #tpu.memory_space<vmem>> -> memref<8xi32, #tpu.memory_space<vmem>>
        %dma_start3A_328 = arith.constant 0 : i32
        %dma_start3A_329 = arith.constant 0 : i32
        %dma_start3A_330 = tpu.memref_slice %arg2[%dma_start3A_328, %dma_start3A_329] : memref<100000x2048xf32, #tpu.memory_space<hbm>> -> memref<100000x2048xf32, #tpu.memory_space<hbm>>
        tpu.enqueue_indirect_dma source(%dma_start3A_330 : memref<100000x2048xf32, #tpu.memory_space<hbm>>) target(%arg8 : memref<8x2048xf32, #tpu.memory_space<vmem>>) offsets(%dma_start3A_327 : memref<8xi32, #tpu.memory_space<vmem>>) semaphore(%arg12 : memref<!tpu.dma_semaphore, #tpu.memory_space<semaphore_mem>>)
      } else {
      }
      %ge3A_170 = arith.constant 1 : i32
      %ge3A_171 = arith.cmpi sge, %add3A_110, %ge3A_170 : i32
      %add3A_172 = arith.constant 3 : i32
      %add3A_173 = arith.addi %add3A_110, %add3A_172 : i32
      %lt3A_174 = arith.constant 64 : i32
      %lt3A_175 = arith.cmpi slt, %add3A_173, %lt3A_174 : i32
      %and3A_176 = arith.andi %ge3A_171, %lt3A_175 : i1
      %convert_element_type3A_177 = arith.extui %and3A_176 : i1 to i32
      %cond3A_178 = arith.constant 0 : i32
      %cond3A_179 = arith.cmpi ne, %convert_element_type3A_177, %cond3A_178 : i32
      scf.if %cond3A_179 {
        %sub3A = arith.constant 1 : i32
        %sub3A_326 = arith.subi %add3A_110, %sub3A : i32
        %mul3A_327 = arith.constant 8 : i32
        %mul3A_328 = arith.muli %sub3A_326, %mul3A_327 : i32
        %add3A_329 = arith.addi %mul3A_2, %mul3A_328 : i32
        %dma_wait3A_330 = arith.constant 0 : i32
        %dma_wait3A_331 = tpu.memref_slice %arg5[%add3A_329, %dma_wait3A_330] : memref<16384x2048xf32, #tpu.memory_space<hbm>> -> memref<8x2048xf32, #tpu.memory_space<hbm>>
        %dma_wait3A_332 = arith.constant 0 : i32
        %dma_wait3A_333 = tpu.memref_slice %arg5[%add3A_329, %dma_wait3A_332] : memref<16384x2048xf32, #tpu.memory_space<hbm>> -> memref<8x2048xf32, #tpu.memory_space<hbm>>
        tpu.wait_dma2 semaphore(%arg16 : memref<!tpu.dma_semaphore, #tpu.memory_space<semaphore_mem>>) src(%arg8 : memref<8x2048xf32, #tpu.memory_space<vmem>>) dst(%dma_wait3A_333 : memref<8x2048xf32, #tpu.memory_space<hbm>>)
        %add3A_334 = arith.constant 3 : i32
        %add3A_335 = arith.addi %add3A_110, %add3A_334 : i32
        %mul3A_336 = arith.constant 8 : i32
        %mul3A_337 = arith.muli %add3A_335, %mul3A_336 : i32
        %dma_start3A_338 = tpu.memref_slice %arg6[%mul3A_337] : memref<512xi32, #tpu.memory_space<vmem>> -> memref<8xi32, #tpu.memory_space<vmem>>
        %dma_start3A_339 = arith.constant 0 : i32
        %dma_start3A_340 = arith.constant 0 : i32
        %dma_start3A_341 = tpu.memref_slice %arg2[%dma_start3A_339, %dma_start3A_340] : memref<100000x2048xf32, #tpu.memory_space<hbm>> -> memref<100000x2048xf32, #tpu.memory_space<hbm>>
        tpu.enqueue_indirect_dma source(%dma_start3A_341 : memref<100000x2048xf32, #tpu.memory_space<hbm>>) target(%arg8 : memref<8x2048xf32, #tpu.memory_space<vmem>>) offsets(%dma_start3A_338 : memref<8xi32, #tpu.memory_space<vmem>>) semaphore(%arg12 : memref<!tpu.dma_semaphore, #tpu.memory_space<semaphore_mem>>)
      } else {
      }
      %mul3A_180 = arith.constant 4 : i32
      %mul3A_181 = arith.muli %scan3A_45, %mul3A_180 : i32
      %add3A_182 = arith.constant 2 : i32
      %add3A_183 = arith.addi %mul3A_181, %add3A_182 : i32
      %mul3A_184 = arith.constant 8 : i32
      %mul3A_185 = arith.muli %add3A_183, %mul3A_184 : i32
      %dma_wait3A_186 = tpu.memref_slice %arg6[%mul3A_185] : memref<512xi32, #tpu.memory_space<vmem>> -> memref<8xi32, #tpu.memory_space<vmem>>
      %dma_wait3A_187 = arith.constant 0 : i32
      %dma_wait3A_188 = arith.constant 0 : i32
      %dma_wait3A_189 = tpu.memref_slice %arg2[%dma_wait3A_187, %dma_wait3A_188] : memref<100000x2048xf32, #tpu.memory_space<hbm>> -> memref<100000x2048xf32, #tpu.memory_space<hbm>>
      tpu.wait_indirect_dma semaphore(%arg14 : memref<!tpu.dma_semaphore, #tpu.memory_space<semaphore_mem>>) src(%dma_wait3A_189 : memref<100000x2048xf32, #tpu.memory_space<hbm>>) dst(%arg10 : memref<8x2048xf32, #tpu.memory_space<vmem>>)
      %parallel_loop3A_190 = arith.constant 0 : i32
      %parallel_loop3A_191 = arith.constant 1024 : i32
      %parallel_loop3A_192 = arith.constant 1 : i32
      scf.for %parallel_loop3A_326 = %parallel_loop3A_190 to %parallel_loop3A_191 step %parallel_loop3A_192  : i32 {
        %parallel_loop3A_327 = arith.constant 7 : i32
        %parallel_loop3A_328 = arith.shrui %parallel_loop3A_326, %parallel_loop3A_327 : i32
        %parallel_loop3A_329 = arith.constant 127 : i32
        %parallel_loop3A_330 = arith.andi %parallel_loop3A_326, %parallel_loop3A_329 : i32
        %parallel_loop3A_331 = arith.constant 16 : i32
        %parallel_loop3A_332 = arith.muli %parallel_loop3A_330, %parallel_loop3A_331 : i32
        %parallel_loop3A_333 = tpu.assume_multiple %parallel_loop3A_332, 16 : i32
        %parallel_loop3A_334 = arith.index_cast %parallel_loop3A_328 : i32 to index
        %parallel_loop3A_335 = arith.index_cast %parallel_loop3A_333 : i32 to index
        %parallel_loop3A_336 = tpu.vector_load %arg10[%parallel_loop3A_334, %parallel_loop3A_335] {strides = array<i32>} : memref<8x2048xf32, #tpu.memory_space<vmem>>, vector<1x16xf32>,
        %parallel_loop3A_337 = vector.shape_cast %parallel_loop3A_336 : vector<1x16xf32> to vector<16xf32>
        %parallel_loop3A_338 = arith.constant 45.2548332 : f32
        %parallel_loop3A_339 = vector.broadcast %parallel_loop3A_338 : f32 to vector<16xf32>
        %parallel_loop3A_340 = arith.mulf %parallel_loop3A_337, %parallel_loop3A_339 : vector<16xf32>
        %parallel_loop3A_341 = arith.index_cast %parallel_loop3A_328 : i32 to index
        %parallel_loop3A_342 = arith.index_cast %parallel_loop3A_333 : i32 to index
        %parallel_loop3A_343 = tpu.vector_load %arg10[%parallel_loop3A_341, %parallel_loop3A_342] {strides = array<i32>} : memref<8x2048xf32, #tpu.memory_space<vmem>>, vector<1x16xf32>,
        %parallel_loop3A_344 = vector.shape_cast %parallel_loop3A_343 : vector<1x16xf32> to vector<16xf32>
        %parallel_loop3A_345 = vector.shape_cast %parallel_loop3A_340 : vector<16xf32> to vector<1x16xf32>
        tpu.vector_store %arg10[%parallel_loop3A_341, %parallel_loop3A_342], %parallel_loop3A_345 {strides = array<i32>} : memref<8x2048xf32, #tpu.memory_space<vmem>>, vector<1x16xf32>,
      } {sc.loop_unroll_factor = 8 : i64, sc.parallel_access}
      %mul3A_193 = arith.constant 2 : i32
      %mul3A_194 = arith.muli %scan3A_45, %mul3A_193 : i32
      %add3A_195 = arith.constant 1 : i32
      %add3A_196 = arith.addi %mul3A_194, %add3A_195 : i32
      %mul3A_197 = arith.constant 16 : i32
      %mul3A_198 = arith.muli %add3A_196, %mul3A_197 : i32
      %multiple_of3A_199 = tpu.assume_multiple %mul3A_198, 16 : i32
      %get3A_200 = arith.index_cast %multiple_of3A_199 : i32 to index
      %get3A_201 = tpu.vector_load %arg7[%get3A_200] {strides = array<i32>} : memref<512xi32, #tpu.memory_space<vmem>>, vector<16xi32>,
      %get3A_202 = vector.shape_cast %get3A_201 : vector<16xi32> to vector<16xi32>
      %slice3A_203 = vector.extract_strided_slice %get3A_202 {offsets = [1], sizes = [1], strides = [1]} : vector<16xi32> to vector<1xi32>
      %squeeze3A_204 = vector.extract %slice3A_203[0] : i32 from vector<1xi32>
      %ne3A_205 = arith.constant 0 : i32
      %ne3A_206 = arith.cmpi ne, %squeeze3A_204, %ne3A_205 : i32
      %convert_element_type3A_207 = arith.extui %ne3A_206 : i1 to i32
      %cond3A_208 = arith.constant 0 : i32
      %cond3A_209 = arith.cmpi ne, %convert_element_type3A_207, %cond3A_208 : i32
      scf.if %cond3A_209 {
        %add3A_326 = arith.constant 1 : i32
        %add3A_327 = arith.addi %add3A_326, %squeeze3A_204 : i32
        %scan3A_328 = arith.constant 0 : i32
        %scan3A_329 = arith.constant 0 : i32
        %scan3A_330 = arith.constant 128 : i32
        %scan3A_331 = arith.addi %scan3A_329, %scan3A_330 : i32
        %scan3A_332 = arith.constant 1 : i32
        scf.for %scan3A_334 = %scan3A_329 to %scan3A_331 step %scan3A_332  : i32 {
          %mul3A_335 = arith.constant 16 : i32
          %mul3A_336 = arith.muli %scan3A_334, %mul3A_335 : i32
          %multiple_of3A_337 = tpu.assume_multiple %mul3A_336, 16 : i32
          %get3A_338 = arith.index_cast %add3A_327 : i32 to index
          %get3A_339 = arith.index_cast %multiple_of3A_337 : i32 to index
          %get3A_340 = tpu.vector_load %arg10[%get3A_338, %get3A_339] {strides = array<i32>} : memref<8x2048xf32, #tpu.memory_space<vmem>>, vector<1x16xf32>,
          %get3A_341 = vector.shape_cast %get3A_340 : vector<1x16xf32> to vector<16xf32>
          %swap3A = arith.constant 1 : i32
          %swap3A_342 = arith.index_cast %swap3A : i32 to index
          %swap3A_343 = arith.index_cast %multiple_of3A_337 : i32 to index
          %swap3A_344 = tpu.vector_load %arg10[%swap3A_342, %swap3A_343] {strides = array<i32>} : memref<8x2048xf32, #tpu.memory_space<vmem>>, vector<1x16xf32>,
          %swap3A_345 = vector.shape_cast %swap3A_344 : vector<1x16xf32> to vector<16xf32>
          %swap3A_346 = vector.shape_cast %get3A_341 : vector<16xf32> to vector<1x16xf32>
          tpu.vector_store %arg10[%swap3A_342, %swap3A_343], %swap3A_346 {strides = array<i32>} : memref<8x2048xf32, #tpu.memory_space<vmem>>, vector<1x16xf32>,
        }
        %scan3A_333 = arith.constant 128 : i32
      } else {
      }
      %slice3A_210 = vector.extract_strided_slice %get3A_202 {offsets = [3], sizes = [1], strides = [1]} : vector<16xi32> to vector<1xi32>
      %squeeze3A_211 = vector.extract %slice3A_210[0] : i32 from vector<1xi32>
      %ne3A_212 = arith.constant 0 : i32
      %ne3A_213 = arith.cmpi ne, %squeeze3A_211, %ne3A_212 : i32
      %convert_element_type3A_214 = arith.extui %ne3A_213 : i1 to i32
      %cond3A_215 = arith.constant 0 : i32
      %cond3A_216 = arith.cmpi ne, %convert_element_type3A_214, %cond3A_215 : i32
      scf.if %cond3A_216 {
        %add3A_326 = arith.constant 3 : i32
        %add3A_327 = arith.addi %add3A_326, %squeeze3A_211 : i32
        %scan3A_328 = arith.constant 0 : i32
        %scan3A_329 = arith.constant 0 : i32
        %scan3A_330 = arith.constant 128 : i32
        %scan3A_331 = arith.addi %scan3A_329, %scan3A_330 : i32
        %scan3A_332 = arith.constant 1 : i32
        scf.for %scan3A_334 = %scan3A_329 to %scan3A_331 step %scan3A_332  : i32 {
          %mul3A_335 = arith.constant 16 : i32
          %mul3A_336 = arith.muli %scan3A_334, %mul3A_335 : i32
          %multiple_of3A_337 = tpu.assume_multiple %mul3A_336, 16 : i32
          %get3A_338 = arith.index_cast %add3A_327 : i32 to index
          %get3A_339 = arith.index_cast %multiple_of3A_337 : i32 to index
          %get3A_340 = tpu.vector_load %arg10[%get3A_338, %get3A_339] {strides = array<i32>} : memref<8x2048xf32, #tpu.memory_space<vmem>>, vector<1x16xf32>,
          %get3A_341 = vector.shape_cast %get3A_340 : vector<1x16xf32> to vector<16xf32>
          %swap3A = arith.constant 3 : i32
          %swap3A_342 = arith.index_cast %swap3A : i32 to index
          %swap3A_343 = arith.index_cast %multiple_of3A_337 : i32 to index
          %swap3A_344 = tpu.vector_load %arg10[%swap3A_342, %swap3A_343] {strides = array<i32>} : memref<8x2048xf32, #tpu.memory_space<vmem>>, vector<1x16xf32>,
          %swap3A_345 = vector.shape_cast %swap3A_344 : vector<1x16xf32> to vector<16xf32>
          %swap3A_346 = vector.shape_cast %get3A_341 : vector<16xf32> to vector<1x16xf32>
          tpu.vector_store %arg10[%swap3A_342, %swap3A_343], %swap3A_346 {strides = array<i32>} : memref<8x2048xf32, #tpu.memory_space<vmem>>, vector<1x16xf32>,
        }
        %scan3A_333 = arith.constant 128 : i32
      } else {
      }
      %slice3A_217 = vector.extract_strided_slice %get3A_202 {offsets = [5], sizes = [1], strides = [1]} : vector<16xi32> to vector<1xi32>
      %squeeze3A_218 = vector.extract %slice3A_217[0] : i32 from vector<1xi32>
      %ne3A_219 = arith.constant 0 : i32
      %ne3A_220 = arith.cmpi ne, %squeeze3A_218, %ne3A_219 : i32
      %convert_element_type3A_221 = arith.extui %ne3A_220 : i1 to i32
      %cond3A_222 = arith.constant 0 : i32
      %cond3A_223 = arith.cmpi ne, %convert_element_type3A_221, %cond3A_222 : i32
      scf.if %cond3A_223 {
        %add3A_326 = arith.constant 5 : i32
        %add3A_327 = arith.addi %add3A_326, %squeeze3A_218 : i32
        %scan3A_328 = arith.constant 0 : i32
        %scan3A_329 = arith.constant 0 : i32
        %scan3A_330 = arith.constant 128 : i32
        %scan3A_331 = arith.addi %scan3A_329, %scan3A_330 : i32
        %scan3A_332 = arith.constant 1 : i32
        scf.for %scan3A_334 = %scan3A_329 to %scan3A_331 step %scan3A_332  : i32 {
          %mul3A_335 = arith.constant 16 : i32
          %mul3A_336 = arith.muli %scan3A_334, %mul3A_335 : i32
          %multiple_of3A_337 = tpu.assume_multiple %mul3A_336, 16 : i32
          %get3A_338 = arith.index_cast %add3A_327 : i32 to index
          %get3A_339 = arith.index_cast %multiple_of3A_337 : i32 to index
          %get3A_340 = tpu.vector_load %arg10[%get3A_338, %get3A_339] {strides = array<i32>} : memref<8x2048xf32, #tpu.memory_space<vmem>>, vector<1x16xf32>,
          %get3A_341 = vector.shape_cast %get3A_340 : vector<1x16xf32> to vector<16xf32>
          %swap3A = arith.constant 5 : i32
          %swap3A_342 = arith.index_cast %swap3A : i32 to index
          %swap3A_343 = arith.index_cast %multiple_of3A_337 : i32 to index
          %swap3A_344 = tpu.vector_load %arg10[%swap3A_342, %swap3A_343] {strides = array<i32>} : memref<8x2048xf32, #tpu.memory_space<vmem>>, vector<1x16xf32>,
          %swap3A_345 = vector.shape_cast %swap3A_344 : vector<1x16xf32> to vector<16xf32>
          %swap3A_346 = vector.shape_cast %get3A_341 : vector<16xf32> to vector<1x16xf32>
          tpu.vector_store %arg10[%swap3A_342, %swap3A_343], %swap3A_346 {strides = array<i32>} : memref<8x2048xf32, #tpu.memory_space<vmem>>, vector<1x16xf32>,
        }
        %scan3A_333 = arith.constant 128 : i32
      } else {
      }
      %slice3A_224 = vector.extract_strided_slice %get3A_202 {offsets = [7], sizes = [1], strides = [1]} : vector<16xi32> to vector<1xi32>
      %squeeze3A_225 = vector.extract %slice3A_224[0] : i32 from vector<1xi32>
      %ne3A_226 = arith.constant 0 : i32
      %ne3A_227 = arith.cmpi ne, %squeeze3A_225, %ne3A_226 : i32
      %convert_element_type3A_228 = arith.extui %ne3A_227 : i1 to i32
      %cond3A_229 = arith.constant 0 : i32
      %cond3A_230 = arith.cmpi ne, %convert_element_type3A_228, %cond3A_229 : i32
      scf.if %cond3A_230 {
        %add3A_326 = arith.constant 7 : i32
        %add3A_327 = arith.addi %add3A_326, %squeeze3A_225 : i32
        %scan3A_328 = arith.constant 0 : i32
        %scan3A_329 = arith.constant 0 : i32
        %scan3A_330 = arith.constant 128 : i32
        %scan3A_331 = arith.addi %scan3A_329, %scan3A_330 : i32
        %scan3A_332 = arith.constant 1 : i32
        scf.for %scan3A_334 = %scan3A_329 to %scan3A_331 step %scan3A_332  : i32 {
          %mul3A_335 = arith.constant 16 : i32
          %mul3A_336 = arith.muli %scan3A_334, %mul3A_335 : i32
          %multiple_of3A_337 = tpu.assume_multiple %mul3A_336, 16 : i32
          %get3A_338 = arith.index_cast %add3A_327 : i32 to index
          %get3A_339 = arith.index_cast %multiple_of3A_337 : i32 to index
          %get3A_340 = tpu.vector_load %arg10[%get3A_338, %get3A_339] {strides = array<i32>} : memref<8x2048xf32, #tpu.memory_space<vmem>>, vector<1x16xf32>,
          %get3A_341 = vector.shape_cast %get3A_340 : vector<1x16xf32> to vector<16xf32>
          %swap3A = arith.constant 7 : i32
          %swap3A_342 = arith.index_cast %swap3A : i32 to index
          %swap3A_343 = arith.index_cast %multiple_of3A_337 : i32 to index
          %swap3A_344 = tpu.vector_load %arg10[%swap3A_342, %swap3A_343] {strides = array<i32>} : memref<8x2048xf32, #tpu.memory_space<vmem>>, vector<1x16xf32>,
          %swap3A_345 = vector.shape_cast %swap3A_344 : vector<1x16xf32> to vector<16xf32>
          %swap3A_346 = vector.shape_cast %get3A_341 : vector<16xf32> to vector<1x16xf32>
          tpu.vector_store %arg10[%swap3A_342, %swap3A_343], %swap3A_346 {strides = array<i32>} : memref<8x2048xf32, #tpu.memory_space<vmem>>, vector<1x16xf32>,
        }
        %scan3A_333 = arith.constant 128 : i32
      } else {
      }
      %mul3A_231 = arith.constant 8 : i32
      %mul3A_232 = arith.muli %add3A_183, %mul3A_231 : i32
      %add3A_233 = arith.addi %mul3A_2, %mul3A_232 : i32
      %dma_start3A_234 = arith.constant 0 : i32
      %dma_start3A_235 = tpu.memref_slice %arg5[%add3A_233, %dma_start3A_234] : memref<16384x2048xf32, #tpu.memory_space<hbm>> -> memref<8x2048xf32, #tpu.memory_space<hbm>>
      %dma_start3A_236 = arith.constant 0 : i32
      %dma_start3A_237 = tpu.memref_slice %arg5[%add3A_233, %dma_start3A_236] : memref<16384x2048xf32, #tpu.memory_space<hbm>> -> memref<8x2048xf32, #tpu.memory_space<hbm>>
      tpu.enqueue_dma source(%arg10 : memref<8x2048xf32, #tpu.memory_space<vmem>>) target(%dma_start3A_237 : memref<8x2048xf32, #tpu.memory_space<hbm>>) target_semaphore(%arg18 : memref<!tpu.dma_semaphore, #tpu.memory_space<semaphore_mem>>)
      %eq3A_238 = arith.constant 0 : i32
      %eq3A_239 = arith.cmpi eq, %add3A_183, %eq3A_238 : i32
      %convert_element_type3A_240 = arith.extui %eq3A_239 : i1 to i32
      %cond3A_241 = arith.constant 0 : i32
      %cond3A_242 = arith.cmpi ne, %convert_element_type3A_240, %cond3A_241 : i32
      scf.if %cond3A_242 {
        %dma_start3A_326 = arith.constant 24 : i32
        %dma_start3A_327 = tpu.memref_slice %arg6[%dma_start3A_326] : memref<512xi32, #tpu.memory_space<vmem>> -> memref<8xi32, #tpu.memory_space<vmem>>
        %dma_start3A_328 = arith.constant 0 : i32
        %dma_start3A_329 = arith.constant 0 : i32
        %dma_start3A_330 = tpu.memref_slice %arg2[%dma_start3A_328, %dma_start3A_329] : memref<100000x2048xf32, #tpu.memory_space<hbm>> -> memref<100000x2048xf32, #tpu.memory_space<hbm>>
        tpu.enqueue_indirect_dma source(%dma_start3A_330 : memref<100000x2048xf32, #tpu.memory_space<hbm>>) target(%arg9 : memref<8x2048xf32, #tpu.memory_space<vmem>>) offsets(%dma_start3A_327 : memref<8xi32, #tpu.memory_space<vmem>>) semaphore(%arg13 : memref<!tpu.dma_semaphore, #tpu.memory_space<semaphore_mem>>)
      } else {
      }
      %ge3A_243 = arith.constant 1 : i32
      %ge3A_244 = arith.cmpi sge, %add3A_183, %ge3A_243 : i32
      %add3A_245 = arith.constant 3 : i32
      %add3A_246 = arith.addi %add3A_183, %add3A_245 : i32
      %lt3A_247 = arith.constant 64 : i32
      %lt3A_248 = arith.cmpi slt, %add3A_246, %lt3A_247 : i32
      %and3A_249 = arith.andi %ge3A_244, %lt3A_248 : i1
      %convert_element_type3A_250 = arith.extui %and3A_249 : i1 to i32
      %cond3A_251 = arith.constant 0 : i32
      %cond3A_252 = arith.cmpi ne, %convert_element_type3A_250, %cond3A_251 : i32
      scf.if %cond3A_252 {
        %sub3A = arith.constant 1 : i32
        %sub3A_326 = arith.subi %add3A_183, %sub3A : i32
        %mul3A_327 = arith.constant 8 : i32
        %mul3A_328 = arith.muli %sub3A_326, %mul3A_327 : i32
        %add3A_329 = arith.addi %mul3A_2, %mul3A_328 : i32
        %dma_wait3A_330 = arith.constant 0 : i32
        %dma_wait3A_331 = tpu.memref_slice %arg5[%add3A_329, %dma_wait3A_330] : memref<16384x2048xf32, #tpu.memory_space<hbm>> -> memref<8x2048xf32, #tpu.memory_space<hbm>>
        %dma_wait3A_332 = arith.constant 0 : i32
        %dma_wait3A_333 = tpu.memref_slice %arg5[%add3A_329, %dma_wait3A_332] : memref<16384x2048xf32, #tpu.memory_space<hbm>> -> memref<8x2048xf32, #tpu.memory_space<hbm>>
        tpu.wait_dma2 semaphore(%arg17 : memref<!tpu.dma_semaphore, #tpu.memory_space<semaphore_mem>>) src(%arg9 : memref<8x2048xf32, #tpu.memory_space<vmem>>) dst(%dma_wait3A_333 : memref<8x2048xf32, #tpu.memory_space<hbm>>)
        %add3A_334 = arith.constant 3 : i32
        %add3A_335 = arith.addi %add3A_183, %add3A_334 : i32
        %mul3A_336 = arith.constant 8 : i32
        %mul3A_337 = arith.muli %add3A_335, %mul3A_336 : i32
        %dma_start3A_338 = tpu.memref_slice %arg6[%mul3A_337] : memref<512xi32, #tpu.memory_space<vmem>> -> memref<8xi32, #tpu.memory_space<vmem>>
        %dma_start3A_339 = arith.constant 0 : i32
        %dma_start3A_340 = arith.constant 0 : i32
        %dma_start3A_341 = tpu.memref_slice %arg2[%dma_start3A_339, %dma_start3A_340] : memref<100000x2048xf32, #tpu.memory_space<hbm>> -> memref<100000x2048xf32, #tpu.memory_space<hbm>>
        tpu.enqueue_indirect_dma source(%dma_start3A_341 : memref<100000x2048xf32, #tpu.memory_space<hbm>>) target(%arg9 : memref<8x2048xf32, #tpu.memory_space<vmem>>) offsets(%dma_start3A_338 : memref<8xi32, #tpu.memory_space<vmem>>) semaphore(%arg13 : memref<!tpu.dma_semaphore, #tpu.memory_space<semaphore_mem>>)
      } else {
      }
      %mul3A_253 = arith.constant 4 : i32
      %mul3A_254 = arith.muli %scan3A_45, %mul3A_253 : i32
      %add3A_255 = arith.constant 3 : i32
      %add3A_256 = arith.addi %mul3A_254, %add3A_255 : i32
      %mul3A_257 = arith.constant 8 : i32
      %mul3A_258 = arith.muli %add3A_256, %mul3A_257 : i32
      %dma_wait3A_259 = tpu.memref_slice %arg6[%mul3A_258] : memref<512xi32, #tpu.memory_space<vmem>> -> memref<8xi32, #tpu.memory_space<vmem>>
      %dma_wait3A_260 = arith.constant 0 : i32
      %dma_wait3A_261 = arith.constant 0 : i32
      %dma_wait3A_262 = tpu.memref_slice %arg2[%dma_wait3A_260, %dma_wait3A_261] : memref<100000x2048xf32, #tpu.memory_space<hbm>> -> memref<100000x2048xf32, #tpu.memory_space<hbm>>
      tpu.wait_indirect_dma semaphore(%arg15 : memref<!tpu.dma_semaphore, #tpu.memory_space<semaphore_mem>>) src(%dma_wait3A_262 : memref<100000x2048xf32, #tpu.memory_space<hbm>>) dst(%arg11 : memref<8x2048xf32, #tpu.memory_space<vmem>>)
      %parallel_loop3A_263 = arith.constant 0 : i32
      %parallel_loop3A_264 = arith.constant 1024 : i32
      %parallel_loop3A_265 = arith.constant 1 : i32
      scf.for %parallel_loop3A_326 = %parallel_loop3A_263 to %parallel_loop3A_264 step %parallel_loop3A_265  : i32 {
        %parallel_loop3A_327 = arith.constant 7 : i32
        %parallel_loop3A_328 = arith.shrui %parallel_loop3A_326, %parallel_loop3A_327 : i32
        %parallel_loop3A_329 = arith.constant 127 : i32
        %parallel_loop3A_330 = arith.andi %parallel_loop3A_326, %parallel_loop3A_329 : i32
        %parallel_loop3A_331 = arith.constant 16 : i32
        %parallel_loop3A_332 = arith.muli %parallel_loop3A_330, %parallel_loop3A_331 : i32
        %parallel_loop3A_333 = tpu.assume_multiple %parallel_loop3A_332, 16 : i32
        %parallel_loop3A_334 = arith.index_cast %parallel_loop3A_328 : i32 to index
        %parallel_loop3A_335 = arith.index_cast %parallel_loop3A_333 : i32 to index
        %parallel_loop3A_336 = tpu.vector_load %arg11[%parallel_loop3A_334, %parallel_loop3A_335] {strides = array<i32>} : memref<8x2048xf32, #tpu.memory_space<vmem>>, vector<1x16xf32>,
        %parallel_loop3A_337 = vector.shape_cast %parallel_loop3A_336 : vector<1x16xf32> to vector<16xf32>
        %parallel_loop3A_338 = arith.constant 45.2548332 : f32
        %parallel_loop3A_339 = vector.broadcast %parallel_loop3A_338 : f32 to vector<16xf32>
        %parallel_loop3A_340 = arith.mulf %parallel_loop3A_337, %parallel_loop3A_339 : vector<16xf32>
        %parallel_loop3A_341 = arith.index_cast %parallel_loop3A_328 : i32 to index
        %parallel_loop3A_342 = arith.index_cast %parallel_loop3A_333 : i32 to index
        %parallel_loop3A_343 = tpu.vector_load %arg11[%parallel_loop3A_341, %parallel_loop3A_342] {strides = array<i32>} : memref<8x2048xf32, #tpu.memory_space<vmem>>, vector<1x16xf32>,
        %parallel_loop3A_344 = vector.shape_cast %parallel_loop3A_343 : vector<1x16xf32> to vector<16xf32>
        %parallel_loop3A_345 = vector.shape_cast %parallel_loop3A_340 : vector<16xf32> to vector<1x16xf32>
        tpu.vector_store %arg11[%parallel_loop3A_341, %parallel_loop3A_342], %parallel_loop3A_345 {strides = array<i32>} : memref<8x2048xf32, #tpu.memory_space<vmem>>, vector<1x16xf32>,
      } {sc.loop_unroll_factor = 8 : i64, sc.parallel_access}
      %mul3A_266 = arith.constant 2 : i32
      %mul3A_267 = arith.muli %scan3A_45, %mul3A_266 : i32
      %add3A_268 = arith.constant 1 : i32
      %add3A_269 = arith.addi %mul3A_267, %add3A_268 : i32
      %mul3A_270 = arith.constant 16 : i32
      %mul3A_271 = arith.muli %add3A_269, %mul3A_270 : i32
      %multiple_of3A_272 = tpu.assume_multiple %mul3A_271, 16 : i32
      %get3A_273 = arith.index_cast %multiple_of3A_272 : i32 to index
      %get3A_274 = tpu.vector_load %arg7[%get3A_273] {strides = array<i32>} : memref<512xi32, #tpu.memory_space<vmem>>, vector<16xi32>,
      %get3A_275 = vector.shape_cast %get3A_274 : vector<16xi32> to vector<16xi32>
      %slice3A_276 = vector.extract_strided_slice %get3A_275 {offsets = [9], sizes = [1], strides = [1]} : vector<16xi32> to vector<1xi32>
      %squeeze3A_277 = vector.extract %slice3A_276[0] : i32 from vector<1xi32>
      %ne3A_278 = arith.constant 0 : i32
      %ne3A_279 = arith.cmpi ne, %squeeze3A_277, %ne3A_278 : i32
      %convert_element_type3A_280 = arith.extui %ne3A_279 : i1 to i32
      %cond3A_281 = arith.constant 0 : i32
      %cond3A_282 = arith.cmpi ne, %convert_element_type3A_280, %cond3A_281 : i32
      scf.if %cond3A_282 {
        %add3A_326 = arith.constant 1 : i32
        %add3A_327 = arith.addi %add3A_326, %squeeze3A_277 : i32
        %scan3A_328 = arith.constant 0 : i32
        %scan3A_329 = arith.constant 0 : i32
        %scan3A_330 = arith.constant 128 : i32
        %scan3A_331 = arith.addi %scan3A_329, %scan3A_330 : i32
        %scan3A_332 = arith.constant 1 : i32
        scf.for %scan3A_334 = %scan3A_329 to %scan3A_331 step %scan3A_332  : i32 {
          %mul3A_335 = arith.constant 16 : i32
          %mul3A_336 = arith.muli %scan3A_334, %mul3A_335 : i32
          %multiple_of3A_337 = tpu.assume_multiple %mul3A_336, 16 : i32
          %get3A_338 = arith.index_cast %add3A_327 : i32 to index
          %get3A_339 = arith.index_cast %multiple_of3A_337 : i32 to index
          %get3A_340 = tpu.vector_load %arg11[%get3A_338, %get3A_339] {strides = array<i32>} : memref<8x2048xf32, #tpu.memory_space<vmem>>, vector<1x16xf32>,
          %get3A_341 = vector.shape_cast %get3A_340 : vector<1x16xf32> to vector<16xf32>
          %swap3A = arith.constant 1 : i32
          %swap3A_342 = arith.index_cast %swap3A : i32 to index
          %swap3A_343 = arith.index_cast %multiple_of3A_337 : i32 to index
          %swap3A_344 = tpu.vector_load %arg11[%swap3A_342, %swap3A_343] {strides = array<i32>} : memref<8x2048xf32, #tpu.memory_space<vmem>>, vector<1x16xf32>,
          %swap3A_345 = vector.shape_cast %swap3A_344 : vector<1x16xf32> to vector<16xf32>
          %swap3A_346 = vector.shape_cast %get3A_341 : vector<16xf32> to vector<1x16xf32>
          tpu.vector_store %arg11[%swap3A_342, %swap3A_343], %swap3A_346 {strides = array<i32>} : memref<8x2048xf32, #tpu.memory_space<vmem>>, vector<1x16xf32>,
        }
        %scan3A_333 = arith.constant 128 : i32
      } else {
      }
      %slice3A_283 = vector.extract_strided_slice %get3A_275 {offsets = [11], sizes = [1], strides = [1]} : vector<16xi32> to vector<1xi32>
      %squeeze3A_284 = vector.extract %slice3A_283[0] : i32 from vector<1xi32>
      %ne3A_285 = arith.constant 0 : i32
      %ne3A_286 = arith.cmpi ne, %squeeze3A_284, %ne3A_285 : i32
      %convert_element_type3A_287 = arith.extui %ne3A_286 : i1 to i32
      %cond3A_288 = arith.constant 0 : i32
      %cond3A_289 = arith.cmpi ne, %convert_element_type3A_287, %cond3A_288 : i32
      scf.if %cond3A_289 {
        %add3A_326 = arith.constant 3 : i32
        %add3A_327 = arith.addi %add3A_326, %squeeze3A_284 : i32
        %scan3A_328 = arith.constant 0 : i32
        %scan3A_329 = arith.constant 0 : i32
        %scan3A_330 = arith.constant 128 : i32
        %scan3A_331 = arith.addi %scan3A_329, %scan3A_330 : i32
        %scan3A_332 = arith.constant 1 : i32
        scf.for %scan3A_334 = %scan3A_329 to %scan3A_331 step %scan3A_332  : i32 {
          %mul3A_335 = arith.constant 16 : i32
          %mul3A_336 = arith.muli %scan3A_334, %mul3A_335 : i32
          %multiple_of3A_337 = tpu.assume_multiple %mul3A_336, 16 : i32
          %get3A_338 = arith.index_cast %add3A_327 : i32 to index
          %get3A_339 = arith.index_cast %multiple_of3A_337 : i32 to index
          %get3A_340 = tpu.vector_load %arg11[%get3A_338, %get3A_339] {strides = array<i32>} : memref<8x2048xf32, #tpu.memory_space<vmem>>, vector<1x16xf32>,
          %get3A_341 = vector.shape_cast %get3A_340 : vector<1x16xf32> to vector<16xf32>
          %swap3A = arith.constant 3 : i32
          %swap3A_342 = arith.index_cast %swap3A : i32 to index
          %swap3A_343 = arith.index_cast %multiple_of3A_337 : i32 to index
          %swap3A_344 = tpu.vector_load %arg11[%swap3A_342, %swap3A_343] {strides = array<i32>} : memref<8x2048xf32, #tpu.memory_space<vmem>>, vector<1x16xf32>,
          %swap3A_345 = vector.shape_cast %swap3A_344 : vector<1x16xf32> to vector<16xf32>
          %swap3A_346 = vector.shape_cast %get3A_341 : vector<16xf32> to vector<1x16xf32>
          tpu.vector_store %arg11[%swap3A_342, %swap3A_343], %swap3A_346 {strides = array<i32>} : memref<8x2048xf32, #tpu.memory_space<vmem>>, vector<1x16xf32>,
        }
        %scan3A_333 = arith.constant 128 : i32
      } else {
      }
      %slice3A_290 = vector.extract_strided_slice %get3A_275 {offsets = [13], sizes = [1], strides = [1]} : vector<16xi32> to vector<1xi32>
      %squeeze3A_291 = vector.extract %slice3A_290[0] : i32 from vector<1xi32>
      %ne3A_292 = arith.constant 0 : i32
      %ne3A_293 = arith.cmpi ne, %squeeze3A_291, %ne3A_292 : i32
      %convert_element_type3A_294 = arith.extui %ne3A_293 : i1 to i32
      %cond3A_295 = arith.constant 0 : i32
      %cond3A_296 = arith.cmpi ne, %convert_element_type3A_294, %cond3A_295 : i32
      scf.if %cond3A_296 {
        %add3A_326 = arith.constant 5 : i32
        %add3A_327 = arith.addi %add3A_326, %squeeze3A_291 : i32
        %scan3A_328 = arith.constant 0 : i32
        %scan3A_329 = arith.constant 0 : i32
        %scan3A_330 = arith.constant 128 : i32
        %scan3A_331 = arith.addi %scan3A_329, %scan3A_330 : i32
        %scan3A_332 = arith.constant 1 : i32
        scf.for %scan3A_334 = %scan3A_329 to %scan3A_331 step %scan3A_332  : i32 {
          %mul3A_335 = arith.constant 16 : i32
          %mul3A_336 = arith.muli %scan3A_334, %mul3A_335 : i32
          %multiple_of3A_337 = tpu.assume_multiple %mul3A_336, 16 : i32
          %get3A_338 = arith.index_cast %add3A_327 : i32 to index
          %get3A_339 = arith.index_cast %multiple_of3A_337 : i32 to index
          %get3A_340 = tpu.vector_load %arg11[%get3A_338, %get3A_339] {strides = array<i32>} : memref<8x2048xf32, #tpu.memory_space<vmem>>, vector<1x16xf32>,
          %get3A_341 = vector.shape_cast %get3A_340 : vector<1x16xf32> to vector<16xf32>
          %swap3A = arith.constant 5 : i32
          %swap3A_342 = arith.index_cast %swap3A : i32 to index
          %swap3A_343 = arith.index_cast %multiple_of3A_337 : i32 to index
          %swap3A_344 = tpu.vector_load %arg11[%swap3A_342, %swap3A_343] {strides = array<i32>} : memref<8x2048xf32, #tpu.memory_space<vmem>>, vector<1x16xf32>,
          %swap3A_345 = vector.shape_cast %swap3A_344 : vector<1x16xf32> to vector<16xf32>
          %swap3A_346 = vector.shape_cast %get3A_341 : vector<16xf32> to vector<1x16xf32>
          tpu.vector_store %arg11[%swap3A_342, %swap3A_343], %swap3A_346 {strides = array<i32>} : memref<8x2048xf32, #tpu.memory_space<vmem>>, vector<1x16xf32>,
        }
        %scan3A_333 = arith.constant 128 : i32
      } else {
      }
      %slice3A_297 = vector.extract_strided_slice %get3A_275 {offsets = [15], sizes = [1], strides = [1]} : vector<16xi32> to vector<1xi32>
      %squeeze3A_298 = vector.extract %slice3A_297[0] : i32 from vector<1xi32>
      %ne3A_299 = arith.constant 0 : i32
      %ne3A_300 = arith.cmpi ne, %squeeze3A_298, %ne3A_299 : i32
      %convert_element_type3A_301 = arith.extui %ne3A_300 : i1 to i32
      %cond3A_302 = arith.constant 0 : i32
      %cond3A_303 = arith.cmpi ne, %convert_element_type3A_301, %cond3A_302 : i32
      scf.if %cond3A_303 {
        %add3A_326 = arith.constant 7 : i32
        %add3A_327 = arith.addi %add3A_326, %squeeze3A_298 : i32
        %scan3A_328 = arith.constant 0 : i32
        %scan3A_329 = arith.constant 0 : i32
        %scan3A_330 = arith.constant 128 : i32
        %scan3A_331 = arith.addi %scan3A_329, %scan3A_330 : i32
        %scan3A_332 = arith.constant 1 : i32
        scf.for %scan3A_334 = %scan3A_329 to %scan3A_331 step %scan3A_332  : i32 {
          %mul3A_335 = arith.constant 16 : i32
          %mul3A_336 = arith.muli %scan3A_334, %mul3A_335 : i32
          %multiple_of3A_337 = tpu.assume_multiple %mul3A_336, 16 : i32
          %get3A_338 = arith.index_cast %add3A_327 : i32 to index
          %get3A_339 = arith.index_cast %multiple_of3A_337 : i32 to index
          %get3A_340 = tpu.vector_load %arg11[%get3A_338, %get3A_339] {strides = array<i32>} : memref<8x2048xf32, #tpu.memory_space<vmem>>, vector<1x16xf32>,
          %get3A_341 = vector.shape_cast %get3A_340 : vector<1x16xf32> to vector<16xf32>
          %swap3A = arith.constant 7 : i32
          %swap3A_342 = arith.index_cast %swap3A : i32 to index
          %swap3A_343 = arith.index_cast %multiple_of3A_337 : i32 to index
          %swap3A_344 = tpu.vector_load %arg11[%swap3A_342, %swap3A_343] {strides = array<i32>} : memref<8x2048xf32, #tpu.memory_space<vmem>>, vector<1x16xf32>,
          %swap3A_345 = vector.shape_cast %swap3A_344 : vector<1x16xf32> to vector<16xf32>
          %swap3A_346 = vector.shape_cast %get3A_341 : vector<16xf32> to vector<1x16xf32>
          tpu.vector_store %arg11[%swap3A_342, %swap3A_343], %swap3A_346 {strides = array<i32>} : memref<8x2048xf32, #tpu.memory_space<vmem>>, vector<1x16xf32>,
        }
        %scan3A_333 = arith.constant 128 : i32
      } else {
      }
      %mul3A_304 = arith.constant 8 : i32
      %mul3A_305 = arith.muli %add3A_256, %mul3A_304 : i32
      %add3A_306 = arith.addi %mul3A_2, %mul3A_305 : i32
      %dma_start3A_307 = arith.constant 0 : i32
      %dma_start3A_308 = tpu.memref_slice %arg5[%add3A_306, %dma_start3A_307] : memref<16384x2048xf32, #tpu.memory_space<hbm>> -> memref<8x2048xf32, #tpu.memory_space<hbm>>
      %dma_start3A_309 = arith.constant 0 : i32
      %dma_start3A_310 = tpu.memref_slice %arg5[%add3A_306, %dma_start3A_309] : memref<16384x2048xf32, #tpu.memory_space<hbm>> -> memref<8x2048xf32, #tpu.memory_space<hbm>>
      tpu.enqueue_dma source(%arg11 : memref<8x2048xf32, #tpu.memory_space<vmem>>) target(%dma_start3A_310 : memref<8x2048xf32, #tpu.memory_space<hbm>>) target_semaphore(%arg19 : memref<!tpu.dma_semaphore, #tpu.memory_space<semaphore_mem>>)
      %eq3A_311 = arith.constant 0 : i32
      %eq3A_312 = arith.cmpi eq, %add3A_256, %eq3A_311 : i32
      %convert_element_type3A_313 = arith.extui %eq3A_312 : i1 to i32
      %cond3A_314 = arith.constant 0 : i32
      %cond3A_315 = arith.cmpi ne, %convert_element_type3A_313, %cond3A_314 : i32
      scf.if %cond3A_315 {
        %dma_start3A_326 = arith.constant 24 : i32
        %dma_start3A_327 = tpu.memref_slice %arg6[%dma_start3A_326] : memref<512xi32, #tpu.memory_space<vmem>> -> memref<8xi32, #tpu.memory_space<vmem>>
        %dma_start3A_328 = arith.constant 0 : i32
        %dma_start3A_329 = arith.constant 0 : i32
        %dma_start3A_330 = tpu.memref_slice %arg2[%dma_start3A_328, %dma_start3A_329] : memref<100000x2048xf32, #tpu.memory_space<hbm>> -> memref<100000x2048xf32, #tpu.memory_space<hbm>>
        tpu.enqueue_indirect_dma source(%dma_start3A_330 : memref<100000x2048xf32, #tpu.memory_space<hbm>>) target(%arg10 : memref<8x2048xf32, #tpu.memory_space<vmem>>) offsets(%dma_start3A_327 : memref<8xi32, #tpu.memory_space<vmem>>) semaphore(%arg14 : memref<!tpu.dma_semaphore, #tpu.memory_space<semaphore_mem>>)
      } else {
      }
      %ge3A_316 = arith.constant 1 : i32
      %ge3A_317 = arith.cmpi sge, %add3A_256, %ge3A_316 : i32
      %add3A_318 = arith.constant 3 : i32
      %add3A_319 = arith.addi %add3A_256, %add3A_318 : i32
      %lt3A_320 = arith.constant 64 : i32
      %lt3A_321 = arith.cmpi slt, %add3A_319, %lt3A_320 : i32
      %and3A_322 = arith.andi %ge3A_317, %lt3A_321 : i1
      %convert_element_type3A_323 = arith.extui %and3A_322 : i1 to i32
      %cond3A_324 = arith.constant 0 : i32
      %cond3A_325 = arith.cmpi ne, %convert_element_type3A_323, %cond3A_324 : i32
      scf.if %cond3A_325 {
        %sub3A = arith.constant 1 : i32
        %sub3A_326 = arith.subi %add3A_256, %sub3A : i32
        %mul3A_327 = arith.constant 8 : i32
        %mul3A_328 = arith.muli %sub3A_326, %mul3A_327 : i32
        %add3A_329 = arith.addi %mul3A_2, %mul3A_328 : i32
        %dma_wait3A_330 = arith.constant 0 : i32
        %dma_wait3A_331 = tpu.memref_slice %arg5[%add3A_329, %dma_wait3A_330] : memref<16384x2048xf32, #tpu.memory_space<hbm>> -> memref<8x2048xf32, #tpu.memory_space<hbm>>
        %dma_wait3A_332 = arith.constant 0 : i32
        %dma_wait3A_333 = tpu.memref_slice %arg5[%add3A_329, %dma_wait3A_332] : memref<16384x2048xf32, #tpu.memory_space<hbm>> -> memref<8x2048xf32, #tpu.memory_space<hbm>>
        tpu.wait_dma2 semaphore(%arg18 : memref<!tpu.dma_semaphore, #tpu.memory_space<semaphore_mem>>) src(%arg10 : memref<8x2048xf32, #tpu.memory_space<vmem>>) dst(%dma_wait3A_333 : memref<8x2048xf32, #tpu.memory_space<hbm>>)
        %add3A_334 = arith.constant 3 : i32
        %add3A_335 = arith.addi %add3A_256, %add3A_334 : i32
        %mul3A_336 = arith.constant 8 : i32
        %mul3A_337 = arith.muli %add3A_335, %mul3A_336 : i32
        %dma_start3A_338 = tpu.memref_slice %arg6[%mul3A_337] : memref<512xi32, #tpu.memory_space<vmem>> -> memref<8xi32, #tpu.memory_space<vmem>>
        %dma_start3A_339 = arith.constant 0 : i32
        %dma_start3A_340 = arith.constant 0 : i32
        %dma_start3A_341 = tpu.memref_slice %arg2[%dma_start3A_339, %dma_start3A_340] : memref<100000x2048xf32, #tpu.memory_space<hbm>> -> memref<100000x2048xf32, #tpu.memory_space<hbm>>
        tpu.enqueue_indirect_dma source(%dma_start3A_341 : memref<100000x2048xf32, #tpu.memory_space<hbm>>) target(%arg10 : memref<8x2048xf32, #tpu.memory_space<vmem>>) offsets(%dma_start3A_338 : memref<8xi32, #tpu.memory_space<vmem>>) semaphore(%arg14 : memref<!tpu.dma_semaphore, #tpu.memory_space<semaphore_mem>>)
      } else {
      }
    }
    %scan3A_21 = arith.constant 16 : i32
    %add3A_22 = arith.constant 480 : i32
    %add3A_23 = arith.addi %mul3A_2, %add3A_22 : i32
    %dma_wait3A = arith.constant 0 : i32
    %dma_wait3A_24 = tpu.memref_slice %arg5[%add3A_23, %dma_wait3A] : memref<16384x2048xf32, #tpu.memory_space<hbm>> -> memref<8x2048xf32, #tpu.memory_space<hbm>>
    %dma_wait3A_25 = arith.constant 0 : i32
    %dma_wait3A_26 = tpu.memref_slice %arg5[%add3A_23, %dma_wait3A_25] : memref<16384x2048xf32, #tpu.memory_space<hbm>> -> memref<8x2048xf32, #tpu.memory_space<hbm>>
    tpu.wait_dma2 semaphore(%arg16 : memref<!tpu.dma_semaphore, #tpu.memory_space<semaphore_mem>>) src(%arg8 : memref<8x2048xf32, #tpu.memory_space<vmem>>) dst(%dma_wait3A_26 : memref<8x2048xf32, #tpu.memory_space<hbm>>)
    %add3A_27 = arith.constant 488 : i32
    %add3A_28 = arith.addi %mul3A_2, %add3A_27 : i32
    %dma_wait3A_29 = arith.constant 0 : i32
    %dma_wait3A_30 = tpu.memref_slice %arg5[%add3A_28, %dma_wait3A_29] : memref<16384x2048xf32, #tpu.memory_space<hbm>> -> memref<8x2048xf32, #tpu.memory_space<hbm>>
    %dma_wait3A_31 = arith.constant 0 : i32
    %dma_wait3A_32 = tpu.memref_slice %arg5[%add3A_28, %dma_wait3A_31] : memref<16384x2048xf32, #tpu.memory_space<hbm>> -> memref<8x2048xf32, #tpu.memory_space<hbm>>
    tpu.wait_dma2 semaphore(%arg17 : memref<!tpu.dma_semaphore, #tpu.memory_space<semaphore_mem>>) src(%arg9 : memref<8x2048xf32, #tpu.memory_space<vmem>>) dst(%dma_wait3A_32 : memref<8x2048xf32, #tpu.memory_space<hbm>>)
    %add3A_33 = arith.constant 496 : i32
    %add3A_34 = arith.addi %mul3A_2, %add3A_33 : i32
    %dma_wait3A_35 = arith.constant 0 : i32
    %dma_wait3A_36 = tpu.memref_slice %arg5[%add3A_34, %dma_wait3A_35] : memref<16384x2048xf32, #tpu.memory_space<hbm>> -> memref<8x2048xf32, #tpu.memory_space<hbm>>
    %dma_wait3A_37 = arith.constant 0 : i32
    %dma_wait3A_38 = tpu.memref_slice %arg5[%add3A_34, %dma_wait3A_37] : memref<16384x2048xf32, #tpu.memory_space<hbm>> -> memref<8x2048xf32, #tpu.memory_space<hbm>>
    tpu.wait_dma2 semaphore(%arg18 : memref<!tpu.dma_semaphore, #tpu.memory_space<semaphore_mem>>) src(%arg10 : memref<8x2048xf32, #tpu.memory_space<vmem>>) dst(%dma_wait3A_38 : memref<8x2048xf32, #tpu.memory_space<hbm>>)
    %add3A_39 = arith.constant 504 : i32
    %add3A_40 = arith.addi %mul3A_2, %add3A_39 : i32
    %dma_wait3A_41 = arith.constant 0 : i32
    %dma_wait3A_42 = tpu.memref_slice %arg5[%add3A_40, %dma_wait3A_41] : memref<16384x2048xf32, #tpu.memory_space<hbm>> -> memref<8x2048xf32, #tpu.memory_space<hbm>>
    %dma_wait3A_43 = arith.constant 0 : i32
    %dma_wait3A_44 = tpu.memref_slice %arg5[%add3A_40, %dma_wait3A_43] : memref<16384x2048xf32, #tpu.memory_space<hbm>> -> memref<8x2048xf32, #tpu.memory_space<hbm>>
    tpu.wait_dma2 semaphore(%arg19 : memref<!tpu.dma_semaphore, #tpu.memory_space<semaphore_mem>>) src(%arg11 : memref<8x2048xf32, #tpu.memory_space<vmem>>) dst(%dma_wait3A_44 : memref<8x2048xf32, #tpu.memory_space<hbm>>)
    return
  }
}

</mosaic_0001>

<sc_bundles>
// kernel: kernel.3.cloned.1.call-start
scs
__scs_entry_jumppad:
0x0: {  	(pc) =	sbr.rel $0x88, $3  }
0x1: {  	(tag) =	ssettag $0x0;
	lr =	simm.s32 $0x1  }
0x2: {  	[smem:$0x3F9F] =	sst lr;
	_ =	strace $0xD0000000  }
0x3: {  	_ = 	snop  }
0x4: {  	_ = 	snop  }
0x5: {  	_ = 	snop  }
0x6: {  	_ = 	snop  }
0x7: {  	_ = 	snop  }
__scs_overlays_trampoline_lowered:
0x8: {  	[smem:$0x3FAE] =	sst s0  }
0x9: {  	[smem:$0x3FAF] =	sst s1  }
0xa: {  	[smem:$0x3FB0] =	sst s2  }
0xb: {  	[smem:$0x3FB1] =	sst s3  }
0xc: {  	[smem:$0x3FB2] =	sst s4  }
0xd: {  	[smem:$0x3FB3] =	sst s5  }
0xe: {  	[smem:$0x3FB4] =	sst s6  }
0xf: {  	[smem:$0x3FB5] =	sst s7  }
0x10: {  	[smem:$0x3FB6] =	sst s8  }
0x11: {  	[smem:$0x3FB7] =	sst s9;
	s0 =	simm.s32 @!p0 $0x0  }
0x12: {  	s1 =	sld [smem:$0x3F9D];
	s0 =	simm.s32 @p0 $0x1  }
0x13: {  	[smem:$0x3FB8] =	sst s0;
	s0 =	simm.s32 @!p1 $0x0  }
0x14: {  	s2 =	sld [smem:$0x3F9C];
	s0 =	simm.s32 @p1 $0x1  }
0x15: {  	[smem:$0x3FB9] =	sst s0;
	s0 =	simm.s32 @!p2 $0x0  }
0x16: {  	s3 =	sld [smem:$0x3FDB];
	s0 =	simm.s32 @p2 $0x1  }
0x17: {  	s4 =	simm.s32 $0x1BF5;
	[smem:$0x3FBB] =	sst s0  }
0x18: {  	s0 =	sld [smem:$0x3F9E];
	_ =	swait.ge [sflag:s4], $0x0  }
0x19: {  	s7 =	sld [smem:$0x3F9F]  }
0x1a: {  	s8 =	sadd.s32 $0xFFFFE003, lr  }
0x1b: {  	s9 =	sadd.s32 $0xFFFFFEF7, lr;
	s5 =	simm.s32 $0xFFFFFFFF;
	p2 =	slt.u32 s8, $0xFFFFF086  }
0x1c: {  	p1 =	slt.u32 s9, $0xF7A;
	s5 =	simm.s32 @!p2 $0x0  }
0x1d: {  	s5 =	simm.s32 @p1 $0x1;
	p0 =	seq.s32 s7, s2  }
0x1e: {  	s7 =	smul.u32 @!p0 $0xF7A, s2;
	p2 =	seq.s32 @!p0 s5, $0x0  }
0x1f: {  	s9 =	smul.u32 $0xF7A, s1;
	s8 =	simm.s32 @!p0 $0x1BF5;
	p2 =	por !p2, p0  }
0x20: {  	[sflag:s8] =	ssyncset.s32 @!p0 $0xFFFFF086;
	s6 =	sadd.s32 @!p0 s3, s7;
	s7 =	simm.s32 @!p0 $0x108  }
0x21: {  	s3 =	sadd.s32 s3, s9;
	s6 =	sadd.s32 @!p0 $0x88, s6;
	s7 =	simm.s32 @p2 $0x1082  }
0x22: {  	[simem:s7], [sflag:s8] =	dma.local @!p0 [hbm:s6], $0xF7A  }
0x23: {  	s9 =	sor.u32 $0xD0000000, s2;
	s6 =	simm.s32 $0x108;
	_ =	swait.ge @!p0 [sflag:s8], $0x0  }
0x24: {  	s3 =	sadd.s32 $0x88, s3;
	s6 =	simm.s32 @!p1 $0x1082;
	[sflag:s4] =	ssyncset.s32 $0xFFFFF086  }
0x25: {  	[simem:s6], [sflag:s4] =	dma.local [hbm:s3], $0xF7A  }
0x26: {  	[smem:$0x3F9F] =	sst s1;
	(tag) =	ssettag s2;
	_ =	strace s9  }
0x27: {  	s1 =	sld [smem:$0x3FAF]  }
0x28: {  	s2 =	sld [smem:$0x3FB0]  }
0x29: {  	s4 =	sld [smem:$0x3FB2]  }
0x2a: {  	p0 =	seq.s32 s5, $0x0;
	s5 =	sld [smem:$0x3FB3]  }
0x2b: {  	s6 =	sld [smem:$0x3FB4]  }
0x2c: {  	s7 =	sld [smem:$0x3FB5]  }
0x2d: {  	s3 =	simm.s32 $0x108;
	s8 =	sld [smem:$0x3FB6]  }
0x2e: {  	s3 =	simm.s32 @!p0 $0x1082;
	s9 =	sld [smem:$0x3FB7]  }
0x2f: {  	lr =	sadd.s32 s0, s3;
	s0 =	sld [smem:$0x3FAE]  }
0x30: {  	s3 =	sld [smem:$0x3FB1]  }
0x31: {  	[smem:$0x3FBA] =	sst s10  }
0x32: {  	s10 =	sld [smem:$0x3FB8];
	_ =	sdelay $0x3  }
0x33: {  	p0 =	seq.s32 s10, $0x1;
	s10 =	sld [smem:$0x3FBA];
	_ =	sdelay $0x3  }
0x34: {  	[smem:$0x3FBA] =	sst s10  }
0x35: {  	s10 =	sld [smem:$0x3FB9];
	_ =	sdelay $0x3  }
0x36: {  	p1 =	seq.s32 s10, $0x1;
	s10 =	sld [smem:$0x3FBA];
	_ =	sdelay $0x3  }
0x37: {  	[smem:$0x3FBA] =	sst s10  }
0x38: {  	s10 =	sld [smem:$0x3FBB]  }
0x39: {  	_ = 	snop;
	(pc) =	sbr.ind lr, $3  }
0x3a: {  	_ = 	snop  }
0x3b: {  	_ = 	snop  }
0x3c: {  	p2 =	seq.s32 s10, $0x1;
	s10 =	sld [smem:$0x3FBA]  }
0x3d: {  	_ =	shalt  }
0x3e: {  	_ =	shalt  }
0x3f: {  	_ =	shalt  }
0x40: {  	_ =	shalt  }
0x41: {  	_ =	shalt  }
0x42: {  	_ =	shalt  }
0x43: {  	_ =	shalt  }
0x44: {  	_ =	shalt  }
0x45: {  	_ =	shalt  }
0x46: {  	_ =	shalt  }
0x47: {  	_ =	shalt  }
0x48: {  	_ =	shalt  }
0x49: {  	_ =	shalt  }
0x4a: {  	_ =	shalt  }
0x4b: {  	_ =	shalt  }
0x4c: {  	_ =	shalt  }
0x4d: {  	_ =	shalt  }
0x4e: {  	_ =	shalt  }
0x4f: {  	_ =	shalt  }
0x50: {  	_ =	shalt  }
0x51: {  	_ =	shalt  }
0x52: {  	_ =	shalt  }
0x53: {  	_ =	shalt  }
0x54: {  	_ =	shalt  }
0x55: {  	_ =	shalt  }
0x56: {  	_ =	shalt  }
0x57: {  	_ =	shalt  }
0x58: {  	_ =	shalt  }
0x59: {  	_ =	shalt  }
0x5a: {  	_ =	shalt  }
0x5b: {  	_ =	shalt  }
0x5c: {  	_ =	shalt  }
0x5d: {  	_ =	shalt  }
0x5e: {  	_ =	shalt  }
0x5f: {  	_ =	shalt  }
0x60: {  	_ =	shalt  }
0x61: {  	_ =	shalt  }
0x62: {  	_ =	shalt  }
0x63: {  	_ =	shalt  }
0x64: {  	_ =	shalt  }
0x65: {  	_ =	shalt  }
0x66: {  	_ =	shalt  }
0x67: {  	_ =	shalt  }
0x68: {  	_ =	shalt  }
0x69: {  	_ =	shalt  }
0x6a: {  	_ =	shalt  }
0x6b: {  	_ =	shalt  }
0x6c: {  	_ =	shalt  }
0x6d: {  	_ =	shalt  }
0x6e: {  	_ =	shalt  }
0x6f: {  	_ =	shalt  }
0x70: {  	_ =	shalt  }
0x71: {  	_ =	shalt  }
0x72: {  	_ =	shalt  }
0x73: {  	_ =	shalt  }
0x74: {  	_ =	shalt  }
0x75: {  	_ =	shalt  }
0x76: {  	_ =	shalt  }
0x77: {  	_ =	shalt  }
0x78: {  	_ =	shalt  }
0x79: {  	_ =	shalt  }
0x7a: {  	_ =	shalt  }
0x7b: {  	_ =	shalt  }
0x7c: {  	_ =	shalt  }
0x7d: {  	_ =	shalt  }
0x7e: {  	_ =	shalt  }
0x7f: {  	_ =	shalt  }
0x80: {  	_ =	shalt  }
0x81: {  	_ =	shalt  }
0x82: {  	_ =	shalt  }
0x83: {  	_ =	shalt  }
0x84: {  	_ =	shalt  }
0x85: {  	_ =	shalt  }
0x86: {  	_ =	shalt  }
0x87: {  	_ =	shalt  }
.Lfunc_end0:
.L_simem_size_0:
called_computation_lowered:
.L_overlay_start_0:
0x88: {  	s2 =	sld [smem:$0x3FD9]  }
0x89: {  	s3 =	sld [smem:$0x3FFE];
	_ =	sdelay $0x1  }
0x8a: {  	s1 =	srdreg.scid  }
0x8b: {  	s0 =	sand.u32 $0x1, s1  }
0x8c: {  	s17 =	sshll.u32 s0, $0xA;
	s2 =	sadd.s32 s3, s2  }
0x8d: {  	s2 =	sadd.s32 s2, s17  }
0x8e: {  	[smem:$0x3FC6] =	sst s2  }
0x8f: {  	_ = 	snop  }
0x90: {  	s2 =	sld [smem:$0x3FC8]  }
0x91: {  	s18 =	sld [smem:$0x3FD0];
	(tm) =	ssettm $0x1  }
0x92: {  	s4 =	sld [smem:$0x3FFB];
	_ =	sdelay $0x3  }
0x93: {  	_ =	strace s4  }
0x94: {  	s4 =	sld [smem:$0x3FFC];
	_ =	sdelay $0x3  }
0x95: {  	_ =	strace s4  }
0x96: {  	s4 =	sld [smem:$0x3FFD];
	_ =	sdelay $0x3  }
0x97: {  	_ =	strace s4  }
0x98: {  	_ =	strace $0x8FFFFFFF  }
0x99: {  	s19 =	sld [smem:$0x3FDB];
	_ =	sdelay $0x1  }
0x9a: {  	s5 =	simm.s32 $_scs_section_size  }
0x9b: {  	s6 =	simm.s32 $_size__tile_overlayer_lowered;
	s7 =	simm.s32 $_tile_overlayer_lowered  }
0x9c: {  	s22 =	simm.s32 $0x1BFF;
	s21 =	sshll.u32 s7, $0x1;
	s4 =	sadd.s32 s5, s19  }
0x9d: {  	s8 =	simm.s32 $0x0;
	s20 =	sshll.u32 s6, $0x1;
	s6 =	sadd.s32 s21, s4  }
0x9e: {  	[timem:s8], [sflag:s22] =	dma.local [hbm:s6], s20  }
0x9f: {  	_ =	swait.ge [sflag:s22], s20  }
0xa0: {  	s5 =	ssub.s32 $0x0, s20;
	[sflag:s22] =	ssyncset.done $0x0  }
0xa1: {  	[sflag:s22] =	ssyncadd.s32 s5;
	_ =	sdelay $0x1  }
0xa2: {  	s23 =	simm.s32 $0x1B8B  }
0xa3: {  	_ =	swait.ge [sflag:s23], $0x1  }
0xa4: {  	[sflag:s23] =	ssyncset.done $0x0  }
0xa5: {  	s25 =	simm.s32 $0x1B8E;
	s24 =	sld [smem:$0x3FFE];
	[sflag:s23] =	ssyncadd.s32 $0xFFFFFFFF  }
0xa6: {  	s26 =	simm.s32 $execute0_lowered;
	[smem:$0x3FD2] =	sst s25  }
0xa7: {  	s6 =	sshll.u32 s26, $0x1;
	_ =	strace $0x80000046;
	[dreg:$0x1] =	wrdreg $0xFFFFFFFF  }
0xa8: {  	s28 =	simm.s32 $_size_execute0_lowered;
	s4 =	sadd.s32 s4, s6;
	[dreg:$0x0] =	wrdreg $0x0  }
0xa9: {  	s6 =	sshll.u32 s28, $0x1;
	[dreg:$0x2] =	wrdreg s4  }
0xaa: {  	[dreg:$0x3] =	wrdreg s6  }
0xab: {  	[dreg:$0x4] =	wrdreg $0xC0  }
0xac: {  	_ =	task [dreg:s8], $0x5FFFF  }
0xad: {  	[dreg:$0x1] =	wrdreg $0xFFFFFFFF  }
0xae: {  	[dreg:$0x0] =	wrdreg $0x60  }
0xaf: {  	[dreg:$0x2] =	wrdreg s2  }
0xb0: {  	[dreg:$0x3] =	wrdreg s24  }
0xb1: {  	[dreg:$0x4] =	wrdreg s18  }
0xb2: {  	[dreg:$0x5] =	wrdreg $0x9  }
0xb3: {  	_ =	task.clear_ibuf [dreg:s8], $0x6FFFF;
	_ =	strace $0x90000046  }
0xb4: {  	s29 =	simm.s32 $0x9;
	_ =	strace $0x80000048  }
0xb5: {  	_ =	swait.ge [sflag:s29], $0x1  }
0xb6: {  	[sflag:s29] =	ssyncadd.s32 $0xFFFFFFFF  }
0xb7: {  	_ =	strace $0x90000048  }
0xb8: {  	_ =	sfence  }
0xb9: {  	s30 =	sld [smem:$0x0];
	_ =	sdelay $0x2  }
0xba: {  	s31 =	sshll.u32 s1, $0xD;
	s1 =	sshrl.u32 s1, $0x2  }
0xbb: {  	s3 =	sand.u32 $0x4000, s31;
	s1 =	sadd.s32 s1, s30  }
0xbc: {  	s0 =	sor.u32 s3, s0;
	s1 =	sshll.u32 s1, $0x11  }
0xbd: {  	s0 =	sor.u32 s1, s0  }
0xbe: {  	s0 =	sadd.s32 $0x8F2B, s0  }
0xbf: {  	[sflag:s0] =	ssyncadd.remote.s32 $0x1  }
0xc0: {  	_ =	sfence.sel $0xFFFF  }
0xc1: {  	[dreg:$0x0] =	wrdreg $0xFFFFFFFF;
	(pc) =	sbr.abs _section_cstart, $3  }
0xc2: {  	[dreg:$0x1] =	wrdreg $0xFFFFFFFF  }
0xc3: {  	_ =	task.clear_ibuf [dreg:s8], $0x2FFFF;
	_ =	strace $0x9FFFFFFF  }
0xc4: {  	(tm) =	ssettm $0x7FFFFFFF  }
0xc5: {  	_ =	shalt  }
tec
execute0_lowered:
.L_overlay_start_1:
0x0: {  	(tag) =	ssettag $0x1  }
0x1: {  	s0 =	srdreg.scid  }
0x2: {  	s1 =	stileid.u32;
	s4 =	rddreg [dreg:$0x1]  }
0x3: {  	s7 =	rddreg [dreg:$0x2];
	s18 =	simm.s32 $0x400;
	s23 =	simm.s32 $0x8400  }
0x4: {  	s20 =	simm.s32 $0x2;
	s21 =	simm.s32 $0x3;
	s22 =	simm.s32 $0x4  }
0x5: {  	s16 =	simm.s32 $0x7;
	s0 =	sand.u32 $0x1, s0;
	s2 =	sshll.u32 s1, $0x1  }
0x6: {  	s1 =	rddreg [dreg:$0x0];
	s2 =	sor.u32 s0, s2;
	s0 =	ssub.s32 $0x2, s0  }
0x7: {  	s8 =	sadd.s32 $0x100, s1;
	s9 =	sadd.s32 $0x200, s1;
	s10 =	sadd.s32 $0x300, s1  }
0x8: {  	s11 =	sadd.s32 $0x400, s1;
	s12 =	sadd.s32 $0x500, s1;
	s13 =	sadd.s32 $0x600, s1  }
0x9: {  	s14 =	sadd.s32 $0x700, s1;
	s3 =	sshll.u32 s2, $0x9;
	s5 =	sshll.u32 s2, $0x7  }
0xa: {  	s30 =	sshrl.u32 s0, $0x1;
	s6 =	sand.u32 $0x3000, s3;
	s5 =	sand.u32 $0x380, s5  }
0xb: {  	s2 =	sshll.u32 s2, $0x11;
	s0 =	ssub.s32 s0, s30;
	s6 =	sor.u32 s5, s6  }
.Ltmp0:
0xc: {  	s5 =	simm.s32 $0x0;
	s6 =	sshrl.u32 s6, $0x3;
	(pc) =	sbr.rel .LBB2_1-.Ltmp0, $4  }
0xd: {  	s0 =	smax.u32 s0, $0x1;
	[smem:$0x7FF] =	sst s5;
	s4 =	sadd.s32 s6, s4  }
0xe: {  	v0 =	vlaneseq.u32;
	_ =	strace $0x80000047;
	[dreg:$0x6] =	wrdreg s0;
	s31 =	sadd.s32 $0x1200, s4  }
0xf: {  	v1 =	vshrl.u32 v0, $0x3;
	s15 =	sadd.s32 s7, s2;
	s4 =	sadd.s32 $0xA00, s4;
	[dreg:$0x4] =	wrdreg s31  }
0x10: {  	vm0 =	vmmov $0xffff;
	v0 =	vand.u32 $0x7, v0;
	v1 =	vmul.u32 $0x8, v1;
	s0 =	simm.s32 $0x1;
	s6 =	simm.s32 $0x0;
	[dreg:$0x5] =	wrdreg s4  }
.LBB2_76:
0x11: {  	s2 =	simm.s32 $0x5  }
0x12: {  	_ =	swait.ge [sflag:s2], $0x4000  }
0x13: {  	[sflag:s2] =	ssyncset.done $0x0  }
0x14: {  	s30 =	simm.s32 $0x6;
	[sflag:s2] =	ssyncadd.s32 $0xFFFFC000  }
0x15: {  	_ =	swait.ge [sflag:s30], $0x4000  }
0x16: {  	[sflag:s30] =	ssyncset.done $0x0  }
0x17: {  	[sflag:s30] =	ssyncadd.s32 $0xFFFFC000  }
0x18: {  	_ =	swait.ge [sflag:s16], $0x4000  }
0x19: {  	[sflag:s16] =	ssyncset.done $0x0  }
0x1a: {  	s4 =	simm.s32 $0x8;
	[sflag:s16] =	ssyncadd.s32 $0xFFFFC000  }
0x1b: {  	_ =	swait.ge [sflag:s4], $0x4000  }
0x1c: {  	s6 =	rddreg [dreg:$0x7]  }
0x1d: {  	s31 =	rddreg [dreg:$0x6];
	s6 =	sadd.s32 $0x1, s6  }
0x1e: {  	p0 =	sne.s32 s6, s31  }
.Ltmp1:
0x1f: {  	_ = 	snop;
	(pc) =	sbr.rel @!p0 .LBB2_77-.Ltmp1, $3  }
0x20: {  	_ =	sdelay $0x1  }
0x21: {  	[sflag:s4] =	ssyncset.done $0x0  }
0x22: {  	[sflag:s4] =	ssyncadd.s32 $0xFFFFC000  }
.LBB2_1:
0x23: {  	[dreg:$0x7] =	wrdreg s6  }
0x24: {  	s2 =	rddreg [dreg:$0x4];
	s4 =	simm.s32 $0x80;
	s30 =	simm.s32 $0x9  }
0x25: {  	[tilespmem:s5], [sflag:$0x9] =	stream.strided.gather [hbm4b:s2+s4], $0x200, s18, s4, $0x38;
	[tilespmem:$0x10400] =	vst v63  }
0x26: {  	_ =	swait.ge [sflag:s30], $0x200  }
0x27: {  	[sflag:s30] =	ssyncset.done $0x0  }
0x28: {  	s7 =	simm.s32 $0x200;
	s31 =	rddreg [dreg:$0x5];
	[sflag:s30] =	ssyncadd.s32 $0xFFFFFE00  }
0x29: {  	[tilespmem:s7], [sflag:$0x9] =	stream.strided.gather [hbm4b:s31+s4], $0x200, s18, s4, $0x38;
	[tilespmem:$0x10400] =	vst v63  }
0x2a: {  	_ =	swait.ge [sflag:s30], $0x200  }
0x2b: {  	[sflag:s30] =	ssyncset.done $0x0  }
0x2c: {  	[sflag:s30] =	ssyncadd.s32 $0xFFFFFE00  }
0x2d: {  	v2 =	vld.msk [tilespmem:$0x0], $0xff;
	_ =	sdelay $0x4  }
0x2e: {  	v3 =	vshll.u32 v2, $0x4  }
0x2f: {  	v2 =	vand.u32 $0x7, v2;
	v3 =	vand.u32 $0xFFFFFF80, v3  }
0x30: {  	v2 =	vor.u32 v2, v3  }
0x31: {  	v2 =	vperm.xlane v2, v0;
	_ =	sdelay $0x1  }
0x32: {  	v2 =	vadd.s32 v1, v2;
	_ =	sdelay $0x4  }
0x33: {  	[tilespmem:s18], [sflag:$0x1] =	stream.indirect_vreg.gather [hbm4b:s1+s5], $0x80, v2, vm0, $0xb8;
	[tilespmem:$0x10400] =	vst v63  }
0x34: {  	s7 =	simm.s32 $0xC00  }
0x35: {  	[tilespmem:s7], [sflag:$0x1] =	stream.indirect_vreg.gather [hbm4b:s8+s5], $0x80, v2, vm0, $0xb8;
	[tilespmem:$0x10400] =	vst v63  }
0x36: {  	s17 =	simm.s32 $0x1400  }
0x37: {  	[tilespmem:s17], [sflag:$0x1] =	stream.indirect_vreg.gather [hbm4b:s9+s5], $0x80, v2, vm0, $0xb8;
	[tilespmem:$0x10400] =	vst v63  }
0x38: {  	s19 =	simm.s32 $0x1C00  }
0x39: {  	[tilespmem:s19], [sflag:$0x1] =	stream.indirect_vreg.gather [hbm4b:s10+s5], $0x80, v2, vm0, $0xb8;
	[tilespmem:$0x10400] =	vst v63  }
0x3a: {  	s24 =	simm.s32 $0x2400  }
0x3b: {  	[tilespmem:s24], [sflag:$0x1] =	stream.indirect_vreg.gather [hbm4b:s11+s5], $0x80, v2, vm0, $0xb8;
	[tilespmem:$0x10400] =	vst v63  }
0x3c: {  	s25 =	simm.s32 $0x2C00  }
0x3d: {  	[tilespmem:s25], [sflag:$0x1] =	stream.indirect_vreg.gather [hbm4b:s12+s5], $0x80, v2, vm0, $0xb8;
	[tilespmem:$0x10400] =	vst v63  }
0x3e: {  	s26 =	simm.s32 $0x3400  }
0x3f: {  	[tilespmem:s26], [sflag:$0x1] =	stream.indirect_vreg.gather [hbm4b:s13+s5], $0x80, v2, vm0, $0xb8;
	[tilespmem:$0x10400] =	vst v63  }
0x40: {  	s28 =	simm.s32 $0x3C00  }
0x41: {  	[tilespmem:s28], [sflag:$0x1] =	stream.indirect_vreg.gather [hbm4b:s14+s5], $0x80, v2, vm0, $0xb8;
	[tilespmem:$0x10400] =	vst v63  }
0x42: {  	v2 =	vld.msk [tilespmem:$0x8], $0xff;
	_ =	sdelay $0x4  }
0x43: {  	v3 =	vshll.u32 v2, $0x4  }
0x44: {  	v2 =	vand.u32 $0x7, v2;
	v3 =	vand.u32 $0xFFFFFF80, v3  }
0x45: {  	v2 =	vor.u32 v2, v3  }
0x46: {  	v2 =	vperm.xlane v2, v0;
	_ =	sdelay $0x1  }
0x47: {  	v2 =	vadd.s32 v1, v2;
	_ =	sdelay $0x3  }
0x48: {  	s29 =	simm.s32 $0x4400  }
0x49: {  	[tilespmem:s29], [sflag:$0x2] =	stream.indirect_vreg.gather [hbm4b:s1+s5], $0x80, v2, vm0, $0xb8;
	[tilespmem:$0x10400] =	vst v63  }
0x4a: {  	s30 =	simm.s32 $0x4C00  }
0x4b: {  	[tilespmem:s30], [sflag:$0x2] =	stream.indirect_vreg.gather [hbm4b:s8+s5], $0x80, v2, vm0, $0xb8;
	[tilespmem:$0x10400] =	vst v63  }
0x4c: {  	s31 =	simm.s32 $0x5400  }
0x4d: {  	[tilespmem:s31], [sflag:$0x2] =	stream.indirect_vreg.gather [hbm4b:s9+s5], $0x80, v2, vm0, $0xb8;
	[tilespmem:$0x10400] =	vst v63  }
0x4e: {  	s4 =	simm.s32 $0x5C00  }
0x4f: {  	[tilespmem:s4], [sflag:$0x2] =	stream.indirect_vreg.gather [hbm4b:s10+s5], $0x80, v2, vm0, $0xb8;
	[tilespmem:$0x10400] =	vst v63  }
0x50: {  	s6 =	simm.s32 $0x6400  }
0x51: {  	[tilespmem:s6], [sflag:$0x2] =	stream.indirect_vreg.gather [hbm4b:s11+s5], $0x80, v2, vm0, $0xb8;
	[tilespmem:$0x10400] =	vst v63  }
0x52: {  	s7 =	simm.s32 $0x6C00  }
0x53: {  	[tilespmem:s7], [sflag:$0x2] =	stream.indirect_vreg.gather [hbm4b:s12+s5], $0x80, v2, vm0, $0xb8;
	[tilespmem:$0x10400] =	vst v63  }
0x54: {  	s17 =	simm.s32 $0x7400  }
0x55: {  	[tilespmem:s17], [sflag:$0x2] =	stream.indirect_vreg.gather [hbm4b:s13+s5], $0x80, v2, vm0, $0xb8;
	[tilespmem:$0x10400] =	vst v63  }
0x56: {  	s19 =	simm.s32 $0x7C00  }
0x57: {  	[tilespmem:s19], [sflag:$0x2] =	stream.indirect_vreg.gather [hbm4b:s14+s5], $0x80, v2, vm0, $0xb8;
	[tilespmem:$0x10400] =	vst v63  }
0x58: {  	v2 =	vld.msk [tilespmem:$0x10], $0xff;
	_ =	sdelay $0x4  }
0x59: {  	v3 =	vshll.u32 v2, $0x4  }
0x5a: {  	v2 =	vand.u32 $0x7, v2;
	v3 =	vand.u32 $0xFFFFFF80, v3  }
0x5b: {  	v2 =	vor.u32 v2, v3  }
0x5c: {  	v2 =	vperm.xlane v2, v0;
	_ =	sdelay $0x1  }
0x5d: {  	v2 =	vadd.s32 v1, v2;
	_ =	sdelay $0x4  }
0x5e: {  	[tilespmem:s23], [sflag:$0x3] =	stream.indirect_vreg.gather [hbm4b:s1+s5], $0x80, v2, vm0, $0xb8;
	[tilespmem:$0x10400] =	vst v63  }
0x5f: {  	s24 =	simm.s32 $0x8C00  }
0x60: {  	[tilespmem:s24], [sflag:$0x3] =	stream.indirect_vreg.gather [hbm4b:s8+s5], $0x80, v2, vm0, $0xb8;
	[tilespmem:$0x10400] =	vst v63  }
0x61: {  	s25 =	simm.s32 $0x9400  }
0x62: {  	[tilespmem:s25], [sflag:$0x3] =	stream.indirect_vreg.gather [hbm4b:s9+s5], $0x80, v2, vm0, $0xb8;
	[tilespmem:$0x10400] =	vst v63  }
0x63: {  	s26 =	simm.s32 $0x9C00  }
0x64: {  	[tilespmem:s26], [sflag:$0x3] =	stream.indirect_vreg.gather [hbm4b:s10+s5], $0x80, v2, vm0, $0xb8;
	[tilespmem:$0x10400] =	vst v63  }
0x65: {  	s28 =	simm.s32 $0xA400  }
0x66: {  	[tilespmem:s28], [sflag:$0x3] =	stream.indirect_vreg.gather [hbm4b:s11+s5], $0x80, v2, vm0, $0xb8;
	[tilespmem:$0x10400] =	vst v63  }
0x67: {  	s29 =	simm.s32 $0xAC00  }
0x68: {  	[tilespmem:s29], [sflag:$0x3] =	stream.indirect_vreg.gather [hbm4b:s12+s5], $0x80, v2, vm0, $0xb8;
	[tilespmem:$0x10400] =	vst v63  }
0x69: {  	s30 =	simm.s32 $0xB400  }
0x6a: {  	[tilespmem:s30], [sflag:$0x3] =	stream.indirect_vreg.gather [hbm4b:s13+s5], $0x80, v2, vm0, $0xb8;
	[tilespmem:$0x10400] =	vst v63  }
0x6b: {  	s31 =	simm.s32 $0xBC00;
	s6 =	simm.s32 $0x0  }
0x6c: {  	[tilespmem:s31], [sflag:$0x3] =	stream.indirect_vreg.gather [hbm4b:s14+s5], $0x80, v2, vm0, $0xb8;
	[tilespmem:$0x10400] =	vst v63  }
.LBB2_2:
0x6d: {  	_ =	swait.ge [sflag:s0], $0x4000;
	s2 =	simm.s32 $0x0;
	s4 =	simm.s32 $0x0  }
0x6e: {  	[sflag:s0] =	ssyncset.done $0x0;
	s4 =	sand.u32 $0x380, s4;
	s2 =	sand.u32 $0x3C00, s2  }
0x6f: {  	[sflag:s0] =	ssyncadd.s32 $0xFFFFC000;
	s4 =	sor.u32 s4, s2  }
0x70: {  	v2 =	vld [tilespmem:s4+$0x470]  }
0x71: {  	v3 =	vld [tilespmem:s4+$0x400]  }
0x72: {  	v4 =	vld [tilespmem:s4+$0x410]  }
0x73: {  	v5 =	vld [tilespmem:s4+$0x420]  }
0x74: {  	v7 =	vld [tilespmem:s4+$0x430]  }
0x75: {  	s19 =	simm.s32 $0x8;
	s24 =	simm.s32 $0x400;
	v8 =	vld [tilespmem:s4+$0x440];
	v2 =	vmul.f32 $4.525483320e+01, v2  }
0x76: {  	s31 =	sand.u32 $0x380, s19;
	s7 =	sand.u32 $0x3C00, s24;
	v9 =	vld [tilespmem:s4+$0x450];
	v3 =	vmul.f32 $4.525483320e+01, v3  }
0x77: {  	s7 =	sor.u32 s31, s7;
	v10 =	vld [tilespmem:s4+$0x460];
	v4 =	vmul.f32 $4.525483320e+01, v4;
	[tilespmem:s4+$0x470] =	vst v2  }
0x78: {  	v6 =	vld [tilespmem:s7+$0x470];
	[tilespmem:s4+$0x400] =	vst v3;
	v2 =	vmul.f32 $4.525483320e+01, v5  }
0x79: {  	v5 =	vld [tilespmem:s7+$0x400];
	[tilespmem:s4+$0x410] =	vst v4;
	v3 =	vmul.f32 $4.525483320e+01, v7  }
0x7a: {  	v4 =	vld [tilespmem:s7+$0x410];
	v7 =	vmul.f32 $4.525483320e+01, v8;
	[tilespmem:s4+$0x420] =	vst v2  }
0x7b: {  	v8 =	vmul.f32 $4.525483320e+01, v9;
	v2 =	vld [tilespmem:s7+$0x420];
	[tilespmem:s4+$0x430] =	vst v3  }
0x7c: {  	v3 =	vld [tilespmem:s7+$0x430];
	[tilespmem:s4+$0x440] =	vst v7;
	v7 =	vmul.f32 $4.525483320e+01, v10  }
.LBB2_3:
0x7d: {  	s19 =	sadd.s32 $0x8, s19;
	v9 =	vld [tilespmem:s7+$0x440];
	v6 =	vmul.f32 $4.525483320e+01, v6;
	s24 =	sadd.s32 $0x400, s24;
	[tilespmem:s4+$0x450] =	vst v8  }
0x7e: {  	s2 =	sand.u32 $0x380, s19;
	s25 =	sand.u32 $0x3C00, s24;
	v5 =	vmul.f32 $4.525483320e+01, v5;
	v8 =	vld [tilespmem:s7+$0x450];
	[tilespmem:s4+$0x460] =	vst v7;
	s4 =	smov.u32 s7  }
0x7f: {  	p0 =	slt.u32 s19, $0x3F8;
	s7 =	sor.u32 s2, s25;
	v4 =	vmul.f32 $4.525483320e+01, v4;
	v7 =	vld [tilespmem:s4+$0x460];
	[tilespmem:s4+$0x470] =	vst v6  }
.Ltmp2:
0x80: {  	v6 =	vld [tilespmem:s7+$0x470];
	[tilespmem:s4+$0x400] =	vst v5;
	v2 =	vmul.f32 $4.525483320e+01, v2;
	(pc) =	sbr.rel @p0 .LBB2_3-.Ltmp2, $4  }
0x81: {  	v5 =	vld [tilespmem:s7+$0x400];
	[tilespmem:s4+$0x410] =	vst v4;
	v3 =	vmul.f32 $4.525483320e+01, v3  }
0x82: {  	v4 =	vld [tilespmem:s7+$0x410];
	[tilespmem:s4+$0x420] =	vst v2;
	v9 =	vmul.f32 $4.525483320e+01, v9  }
0x83: {  	v2 =	vld [tilespmem:s7+$0x420];
	[tilespmem:s4+$0x430] =	vst v3;
	v8 =	vmul.f32 $4.525483320e+01, v8  }
0x84: {  	v3 =	vld [tilespmem:s7+$0x430];
	[tilespmem:s4+$0x440] =	vst v9;
	v7 =	vmul.f32 $4.525483320e+01, v7  }
0x85: {  	v9 =	vld [tilespmem:s7+$0x440];
	v6 =	vmul.f32 $4.525483320e+01, v6;
	[tilespmem:s4+$0x450] =	vst v8  }
0x86: {  	v62 =	vld [tilespmem:s7+$0x450];
	v5 =	vmul.f32 $4.525483320e+01, v5;
	[tilespmem:s4+$0x460] =	vst v7  }
0x87: {  	v63 =	vld [tilespmem:s7+$0x460];
	v4 =	vmul.f32 $4.525483320e+01, v4;
	[tilespmem:s7+$0x470] =	vst v6  }
0x88: {  	[tilespmem:s7+$0x400] =	vst v5;
	v2 =	vmul.f32 $4.525483320e+01, v2  }
0x89: {  	[tilespmem:s7+$0x410] =	vst v4;
	v3 =	vmul.f32 $4.525483320e+01, v3  }
0x8a: {  	[tilespmem:s7+$0x420] =	vst v2;
	v2 =	vmul.f32 $4.525483320e+01, v9  }
0x8b: {  	[tilespmem:s7+$0x430] =	vst v3;
	v3 =	vmul.f32 $4.525483320e+01, v62  }
0x8c: {  	[tilespmem:s7+$0x440] =	vst v2;
	v2 =	vmul.f32 $4.525483320e+01, v63  }
0x8d: {  	[tilespmem:s7+$0x450] =	vst v3  }
0x8e: {  	[tilespmem:s7+$0x460] =	vst v2;
	s7 =	sshll.u32 s6, $0x5  }
0x8f: {  	v2 =	vld [tilespmem:s7+$0x200];
	_ =	sdelay $0x4  }
0x90: {  	(v2sf) =	vpush v2, $0x1;
	_ =	sdelay $0xe  }
0x91: {  	s2 =	spop (v2sf)  }
0x92: {  	p0 =	seq.s32 s2, $0x0  }
.Ltmp3:
0x93: {  	_ = 	snop;
	(pc) =	sbr.rel @p0 .LBB2_8-.Ltmp3, $1  }
0x94: {  	_ =	sdelay $0x3  }
0x95: {  	s2 =	sadd.s32 $0x1, s2  }
0x96: {  	s4 =	sshll.u32 s2, $0xB;
	s2 =	sshll.u32 s2, $0x7  }
0x97: {  	s4 =	sand.u32 $0xFFFFC000, s4;
	s2 =	sand.u32 $0x380, s2  }
0x98: {  	s19 =	simm.s32 $0x0;
	s2 =	sor.u32 s2, s4  }
0x99: {  	s24 =	sand.u32 $0x3C00, s19;
	s4 =	sor.u32 $0x400, s2  }
0x9a: {  	s19 =	sand.u32 $0x70, s19;
	s2 =	sadd.s32 s24, s4  }
0x9b: {  	s2 =	sadd.s32 s19, s2  }
0x9c: {  	v3 =	vld [tilespmem:s2+$0x0]  }
0x9d: {  	s25 =	simm.s32 $0x10;
	s26 =	simm.s32 $0x80  }
.LBB2_6:
0x9e: {  	s2 =	sand.u32 $0x3C00, s26;
	p0 =	sne.s32 s25, $0x7F0  }
0x9f: {  	s28 =	smov.u32 s25;
	s25 =	sadd.s32 $0x10, s25;
	s24 =	sor.u32 s19, s24  }
.Ltmp4:
0xa0: {  	s30 =	sadd.s32 s2, s4;
	s19 =	sand.u32 $0x70, s28;
	(pc) =	sbr.rel @p0 .LBB2_6-.Ltmp4, $3  }
0xa1: {  	s28 =	sadd.s32 s19, s30;
	[tilespmem:s24+$0x480] =	vst v3;
	s24 =	smov.u32 s2  }
0xa2: {  	v3 =	vld [tilespmem:s28+$0x0];
	_ =	sdelay $0x1  }
0xa3: {  	s26 =	sadd.s32 $0x80, s26  }
0xa4: {  	_ = 	snop  }
0xa5: {  	s2 =	sor.u32 s19, s24  }
0xa6: {  	[tilespmem:s2+$0x480] =	vst v3  }
.LBB2_8:
0xa7: {  	(v2sf) =	vpush v2, $0x3;
	_ =	sdelay $0xe  }
0xa8: {  	s2 =	spop (v2sf)  }
0xa9: {  	p0 =	seq.s32 s2, $0x0  }
.Ltmp5:
0xaa: {  	_ = 	snop;
	(pc) =	sbr.rel @p0 .LBB2_12-.Ltmp5, $1  }
0xab: {  	_ =	sdelay $0x3  }
0xac: {  	s2 =	sadd.s32 $0x3, s2  }
0xad: {  	s4 =	sshll.u32 s2, $0xB;
	s2 =	sshll.u32 s2, $0x7  }
0xae: {  	s4 =	sand.u32 $0xFFFFC000, s4;
	s2 =	sand.u32 $0x380, s2  }
0xaf: {  	s19 =	simm.s32 $0x0;
	s2 =	sor.u32 s2, s4  }
0xb0: {  	s24 =	sand.u32 $0x3C00, s19;
	s4 =	sor.u32 $0x400, s2  }
0xb1: {  	s19 =	sand.u32 $0x70, s19;
	s2 =	sadd.s32 s24, s4  }
0xb2: {  	s2 =	sadd.s32 s19, s2  }
0xb3: {  	v3 =	vld [tilespmem:s2+$0x0]  }
0xb4: {  	s25 =	simm.s32 $0x10;
	s26 =	simm.s32 $0x80  }
.LBB2_10:
0xb5: {  	s2 =	sand.u32 $0x3C00, s26;
	p0 =	sne.s32 s25, $0x7F0  }
0xb6: {  	s28 =	smov.u32 s25;
	s25 =	sadd.s32 $0x10, s25;
	s24 =	sor.u32 s19, s24  }
.Ltmp6:
0xb7: {  	s30 =	sadd.s32 s2, s4;
	s19 =	sand.u32 $0x70, s28;
	(pc) =	sbr.rel @p0 .LBB2_10-.Ltmp6, $3  }
0xb8: {  	s28 =	sadd.s32 s19, s30;
	[tilespmem:s24+$0x580] =	vst v3;
	s24 =	smov.u32 s2  }
0xb9: {  	v3 =	vld [tilespmem:s28+$0x0];
	_ =	sdelay $0x1  }
0xba: {  	s26 =	sadd.s32 $0x80, s26  }
0xbb: {  	_ = 	snop  }
0xbc: {  	s2 =	sor.u32 s19, s24  }
0xbd: {  	[tilespmem:s2+$0x580] =	vst v3  }
.LBB2_12:
0xbe: {  	(v2sf) =	vpush v2, $0x5;
	_ =	sdelay $0xe  }
0xbf: {  	s2 =	spop (v2sf)  }
0xc0: {  	p0 =	seq.s32 s2, $0x0  }
.Ltmp7:
0xc1: {  	_ = 	snop;
	(pc) =	sbr.rel @p0 .LBB2_16-.Ltmp7, $1  }
0xc2: {  	_ =	sdelay $0x3  }
0xc3: {  	s2 =	sadd.s32 $0x5, s2  }
0xc4: {  	s4 =	sshll.u32 s2, $0xB;
	s2 =	sshll.u32 s2, $0x7  }
0xc5: {  	s4 =	sand.u32 $0xFFFFC000, s4;
	s2 =	sand.u32 $0x380, s2  }
0xc6: {  	s19 =	simm.s32 $0x0;
	s2 =	sor.u32 s2, s4  }
0xc7: {  	s24 =	sand.u32 $0x3C00, s19;
	s4 =	sor.u32 $0x400, s2  }
0xc8: {  	s19 =	sand.u32 $0x70, s19;
	s2 =	sadd.s32 s24, s4  }
0xc9: {  	s2 =	sadd.s32 s19, s2  }
0xca: {  	v3 =	vld [tilespmem:s2+$0x0]  }
0xcb: {  	s25 =	simm.s32 $0x10;
	s26 =	simm.s32 $0x80  }
.LBB2_14:
0xcc: {  	s2 =	sand.u32 $0x3C00, s26;
	p0 =	sne.s32 s25, $0x7F0  }
0xcd: {  	s28 =	smov.u32 s25;
	s25 =	sadd.s32 $0x10, s25;
	s24 =	sor.u32 s19, s24  }
.Ltmp8:
0xce: {  	s30 =	sadd.s32 s2, s4;
	s19 =	sand.u32 $0x70, s28;
	(pc) =	sbr.rel @p0 .LBB2_14-.Ltmp8, $3  }
0xcf: {  	s28 =	sadd.s32 s19, s30;
	[tilespmem:s24+$0x680] =	vst v3;
	s24 =	smov.u32 s2  }
0xd0: {  	v3 =	vld [tilespmem:s28+$0x0];
	_ =	sdelay $0x1  }
0xd1: {  	s26 =	sadd.s32 $0x80, s26  }
0xd2: {  	_ = 	snop  }
0xd3: {  	s2 =	sor.u32 s19, s24  }
0xd4: {  	[tilespmem:s2+$0x680] =	vst v3  }
.LBB2_16:
0xd5: {  	(v2sf) =	vpush v2, $0x7;
	_ =	sdelay $0xe  }
0xd6: {  	s2 =	spop (v2sf)  }
0xd7: {  	p0 =	seq.s32 s2, $0x0  }
.Ltmp9:
0xd8: {  	_ = 	snop;
	(pc) =	sbr.rel @p0 .LBB2_20-.Ltmp9, $1  }
0xd9: {  	_ =	sdelay $0x3  }
0xda: {  	s2 =	sadd.s32 $0x7, s2  }
0xdb: {  	s4 =	sshll.u32 s2, $0xB;
	s2 =	sshll.u32 s2, $0x7  }
0xdc: {  	s4 =	sand.u32 $0xFFFFC000, s4;
	s2 =	sand.u32 $0x380, s2  }
0xdd: {  	s24 =	simm.s32 $0x0;
	s2 =	sor.u32 s2, s4  }
0xde: {  	s31 =	sand.u32 $0x3C00, s24;
	s4 =	sor.u32 $0x400, s2  }
0xdf: {  	s25 =	sand.u32 $0x70, s24;
	s2 =	sadd.s32 s31, s4  }
0xe0: {  	s19 =	simm.s32 $0x10;
	s2 =	sadd.s32 s25, s2  }
0xe1: {  	s26 =	simm.s32 $0x0;
	s28 =	sand.u32 $0x7, s24;
	s25 =	simm.s32 $0x80;
	v2 =	vld [tilespmem:s2+$0x0]  }
.LBB2_18:
0xe2: {  	s2 =	sand.u32 $0x3C00, s25  }
0xe3: {  	s28 =	sshll.u32 s28, $0x4;
	s30 =	smov.u32 s19;
	p0 =	sne.s32 s19, $0x7F0  }
.Ltmp10:
0xe4: {  	s19 =	sadd.s32 $0x10, s19;
	s24 =	sadd.s32 s28, s24;
	(pc) =	sbr.rel @p0 .LBB2_18-.Ltmp10, $4  }
0xe5: {  	s28 =	sand.u32 $0x70, s30;
	s2 =	sadd.s32 s2, s4;
	s24 =	sor.u32 $0x380, s24  }
0xe6: {  	s2 =	sadd.s32 s28, s2;
	[tilespmem:s24+$0x400] =	vst v2;
	s24 =	smov.u32 s25  }
0xe7: {  	s26 =	sadd.s32 $0x1, s26;
	v2 =	vld [tilespmem:s2+$0x0]  }
0xe8: {  	s28 =	sand.u32 $0x7, s26;
	s25 =	sadd.s32 $0x80, s25  }
0xe9: {  	s2 =	sshll.u32 s28, $0x4  }
0xea: {  	s2 =	sadd.s32 s2, s24  }
0xeb: {  	s2 =	sor.u32 $0x380, s2  }
0xec: {  	[tilespmem:s2+$0x400] =	vst v2  }
.LBB2_20:
0xed: {  	s2 =	sadd.s32 s3, s7  }
0xee: {  	s4 =	rddreg [dreg:$0x2];
	s2 =	sshll.u32 s2, $0x8  }
0xef: {  	p0 =	sne.s32 s6, $0x0;
	s2 =	sadd.s32 s4, s2  }
0xf0: {  	[hbm4b:s2+s5] =	stream.linear.scatter [tilespmem:s18], [sflag:$0x5], $0x4000, $0x38;
	[tilespmem:$0x10400] =	vst v63  }
0xf1: {  	s19 =	simm.s32 @p0 $0x8;
	s2 =	sshll.u32 s6, $0x2  }
0xf2: {  	s4 =	sor.u32 @p0 $0x3, s2;
	_ =	swait.ge @p0 [sflag:s19], $0x4000  }
0xf3: {  	[sflag:s19] =	ssyncset.done @p0 $0x0;
	s2 =	sshll.u32 @p0 s4, $0x3  }
0xf4: {  	[sflag:s19] =	ssyncadd.s32 @p0 $0xFFFFC000;
	s2 =	sand.u32 @p0 $0x3FFFFFF8, s2  }
0xf5: {  	v2 =	vld.msk @p0 [tilespmem:s2+$0x0], $0xff;
	_ =	sdelay $0x4  }
0xf6: {  	v3 =	vshll.u32 @p0 v2, $0x4  }
0xf7: {  	v4 =	vlaneseq.u32 @p0;
	v2 =	vand.u32 @p0 $0x7, v2;
	v3 =	vand.u32 @p0 $0xFFFFFF80, v3  }
0xf8: {  	v2 =	vor.u32 @p0 v2, v3;
	v3 =	vand.u32 @p0 $0x7, v4;
	v4 =	vshrl.u32 @p0 v4, $0x3  }
0xf9: {  	v2 =	vperm.xlane @p0 v2, v3;
	v3 =	vmul.u32 @p0 $0x8, v4;
	_ =	sdelay $0x1  }
0xfa: {  	v2 =	vadd.s32 @p0 v3, v2;
	_ =	sdelay $0x3  }
0xfb: {  	vm1 =	vmmov @p0 $0xffff;
	s19 =	simm.s32 @p0 $0xC400;
	s2 =	simm.s32 @p0 $0x0  }
0xfc: {  	[tilespmem:s19], [sflag:$0x4] =	stream.indirect_vreg.gather @p0 [hbm4b:s1+s2], $0x80, v2, vm1, $0xb8;
	[tilespmem:$0x10400] =	vst v63  }
0xfd: {  	s19 =	simm.s32 @p0 $0xCC00  }
0xfe: {  	[tilespmem:s19], [sflag:$0x4] =	stream.indirect_vreg.gather @p0 [hbm4b:s8+s2], $0x80, v2, vm1, $0xb8;
	[tilespmem:$0x10400] =	vst v63  }
0xff: {  	s19 =	simm.s32 @p0 $0xD400  }
0x100: {  	[tilespmem:s19], [sflag:$0x4] =	stream.indirect_vreg.gather @p0 [hbm4b:s9+s2], $0x80, v2, vm1, $0xb8;
	[tilespmem:$0x10400] =	vst v63  }
0x101: {  	s19 =	simm.s32 @p0 $0xDC00  }
0x102: {  	[tilespmem:s19], [sflag:$0x4] =	stream.indirect_vreg.gather @p0 [hbm4b:s10+s2], $0x80, v2, vm1, $0xb8;
	[tilespmem:$0x10400] =	vst v63  }
0x103: {  	s19 =	simm.s32 @p0 $0xE400  }
0x104: {  	[tilespmem:s19], [sflag:$0x4] =	stream.indirect_vreg.gather @p0 [hbm4b:s11+s2], $0x80, v2, vm1, $0xb8;
	[tilespmem:$0x10400] =	vst v63  }
0x105: {  	s19 =	simm.s32 @p0 $0xEC00  }
0x106: {  	[tilespmem:s19], [sflag:$0x4] =	stream.indirect_vreg.gather @p0 [hbm4b:s12+s2], $0x80, v2, vm1, $0xb8;
	[tilespmem:$0x10400] =	vst v63  }
0x107: {  	s19 =	simm.s32 @p0 $0xF400  }
0x108: {  	[tilespmem:s19], [sflag:$0x4] =	stream.indirect_vreg.gather @p0 [hbm4b:s13+s2], $0x80, v2, vm1, $0xb8;
	[tilespmem:$0x10400] =	vst v63  }
0x109: {  	s19 =	simm.s32 @p0 $0xFC00  }
0x10a: {  	[tilespmem:s19], [sflag:$0x4] =	stream.indirect_vreg.gather @p0 [hbm4b:s14+s2], $0x80, v2, vm1, $0xb8;
	[tilespmem:$0x10400] =	vst v63  }
0x10b: {  	v2 =	vld.msk @!p0 [tilespmem:$0x18], $0xff;
	_ =	sdelay $0x4  }
0x10c: {  	v3 =	vshll.u32 @!p0 v2, $0x4  }
0x10d: {  	v4 =	vlaneseq.u32 @!p0;
	v2 =	vand.u32 @!p0 $0x7, v2;
	v3 =	vand.u32 @!p0 $0xFFFFFF80, v3  }
0x10e: {  	v2 =	vor.u32 @!p0 v2, v3;
	v3 =	vand.u32 @!p0 $0x7, v4;
	v4 =	vshrl.u32 @!p0 v4, $0x3  }
0x10f: {  	v2 =	vperm.xlane @!p0 v2, v3;
	v3 =	vmul.u32 @!p0 $0x8, v4;
	_ =	sdelay $0x1  }
0x110: {  	v2 =	vadd.s32 @!p0 v3, v2;
	_ =	sdelay $0x3  }
0x111: {  	vm1 =	vmmov @!p0 $0xffff;
	s2 =	simm.s32 @!p0 $0x0;
	s19 =	simm.s32 @!p0 $0xC400  }
0x112: {  	[tilespmem:s19], [sflag:$0x4] =	stream.indirect_vreg.gather @!p0 [hbm4b:s1+s2], $0x80, v2, vm1, $0xb8;
	[tilespmem:$0x10400] =	vst v63  }
0x113: {  	s19 =	simm.s32 @!p0 $0xCC00  }
0x114: {  	[tilespmem:s19], [sflag:$0x4] =	stream.indirect_vreg.gather @!p0 [hbm4b:s8+s2], $0x80, v2, vm1, $0xb8;
	[tilespmem:$0x10400] =	vst v63  }
0x115: {  	s19 =	simm.s32 @!p0 $0xD400  }
0x116: {  	[tilespmem:s19], [sflag:$0x4] =	stream.indirect_vreg.gather @!p0 [hbm4b:s9+s2], $0x80, v2, vm1, $0xb8;
	[tilespmem:$0x10400] =	vst v63  }
0x117: {  	s19 =	simm.s32 @!p0 $0xDC00  }
0x118: {  	[tilespmem:s19], [sflag:$0x4] =	stream.indirect_vreg.gather @!p0 [hbm4b:s10+s2], $0x80, v2, vm1, $0xb8;
	[tilespmem:$0x10400] =	vst v63  }
0x119: {  	s19 =	simm.s32 @!p0 $0xE400  }
0x11a: {  	[tilespmem:s19], [sflag:$0x4] =	stream.indirect_vreg.gather @!p0 [hbm4b:s11+s2], $0x80, v2, vm1, $0xb8;
	[tilespmem:$0x10400] =	vst v63  }
0x11b: {  	s19 =	simm.s32 @!p0 $0xEC00  }
0x11c: {  	[tilespmem:s19], [sflag:$0x4] =	stream.indirect_vreg.gather @!p0 [hbm4b:s12+s2], $0x80, v2, vm1, $0xb8;
	[tilespmem:$0x10400] =	vst v63  }
0x11d: {  	s19 =	simm.s32 @!p0 $0xF400  }
0x11e: {  	[tilespmem:s19], [sflag:$0x4] =	stream.indirect_vreg.gather @!p0 [hbm4b:s13+s2], $0x80, v2, vm1, $0xb8;
	[tilespmem:$0x10400] =	vst v63  }
0x11f: {  	s19 =	simm.s32 @!p0 $0xFC00  }
0x120: {  	[tilespmem:s19], [sflag:$0x4] =	stream.indirect_vreg.gather @!p0 [hbm4b:s14+s2], $0x80, v2, vm1, $0xb8;
	[tilespmem:$0x10400] =	vst v63  }
0x121: {  	s26 =	simm.s32 $0x0;
	s29 =	simm.s32 $0x0;
	_ =	swait.ge [sflag:s20], $0x4000  }
0x122: {  	s19 =	sand.u32 $0x380, s29;
	s2 =	sand.u32 $0x3C00, s26;
	[sflag:s20] =	ssyncset.done $0x0  }
0x123: {  	s24 =	sor.u32 s19, s2;
	[sflag:s20] =	ssyncadd.s32 $0xFFFFC000  }
0x124: {  	v2 =	vld [tilespmem:s24+$0x4470]  }
0x125: {  	v3 =	vld [tilespmem:s24+$0x4400]  }
0x126: {  	v4 =	vld [tilespmem:s24+$0x4410]  }
0x127: {  	v5 =	vld [tilespmem:s24+$0x4420]  }
0x128: {  	v7 =	vld [tilespmem:s24+$0x4430]  }
0x129: {  	s28 =	simm.s32 $0x400;
	s26 =	simm.s32 $0x8;
	v8 =	vld [tilespmem:s24+$0x4440];
	v2 =	vmul.f32 $4.525483320e+01, v2  }
0x12a: {  	s31 =	sand.u32 $0x3C00, s28;
	s30 =	sand.u32 $0x380, s26;
	v9 =	vld [tilespmem:s24+$0x4450];
	v3 =	vmul.f32 $4.525483320e+01, v3  }
0x12b: {  	s25 =	sor.u32 s30, s31;
	v10 =	vld [tilespmem:s24+$0x4460];
	v4 =	vmul.f32 $4.525483320e+01, v4;
	[tilespmem:s24+$0x4470] =	vst v2  }
0x12c: {  	v6 =	vld [tilespmem:s25+$0x4470];
	[tilespmem:s24+$0x4400] =	vst v3;
	v2 =	vmul.f32 $4.525483320e+01, v5  }
0x12d: {  	v5 =	vld [tilespmem:s25+$0x4400];
	[tilespmem:s24+$0x4410] =	vst v4;
	v4 =	vmul.f32 $4.525483320e+01, v7  }
0x12e: {  	v3 =	vld [tilespmem:s25+$0x4410];
	v7 =	vmul.f32 $4.525483320e+01, v8;
	[tilespmem:s24+$0x4420] =	vst v2  }
0x12f: {  	s19 =	sshll.u32 @p0 s4, $0xB;
	v8 =	vmul.f32 $4.525483320e+01, v9;
	v2 =	vld [tilespmem:s25+$0x4420];
	[tilespmem:s24+$0x4430] =	vst v4  }
0x130: {  	s19 =	simm.s32 @!p0 $0x1800;
	v4 =	vld [tilespmem:s25+$0x4430];
	[tilespmem:s24+$0x4440] =	vst v7;
	v7 =	vmul.f32 $4.525483320e+01, v10  }
.LBB2_21:
0x131: {  	s26 =	sadd.s32 $0x8, s26;
	v9 =	vld [tilespmem:s25+$0x4440];
	v6 =	vmul.f32 $4.525483320e+01, v6;
	s28 =	sadd.s32 $0x400, s28;
	[tilespmem:s24+$0x4450] =	vst v8  }
0x132: {  	s2 =	sand.u32 $0x380, s26;
	s4 =	sand.u32 $0x3C00, s28;
	v5 =	vmul.f32 $4.525483320e+01, v5;
	v8 =	vld [tilespmem:s25+$0x4450];
	[tilespmem:s24+$0x4460] =	vst v7;
	s24 =	smov.u32 s25  }
0x133: {  	p0 =	slt.u32 s26, $0x3F8;
	s25 =	sor.u32 s2, s4;
	v3 =	vmul.f32 $4.525483320e+01, v3;
	v7 =	vld [tilespmem:s24+$0x4460];
	[tilespmem:s24+$0x4470] =	vst v6  }
.Ltmp11:
0x134: {  	v6 =	vld [tilespmem:s25+$0x4470];
	[tilespmem:s24+$0x4400] =	vst v5;
	v2 =	vmul.f32 $4.525483320e+01, v2;
	(pc) =	sbr.rel @p0 .LBB2_21-.Ltmp11, $4  }
0x135: {  	v5 =	vld [tilespmem:s25+$0x4400];
	[tilespmem:s24+$0x4410] =	vst v3;
	v4 =	vmul.f32 $4.525483320e+01, v4  }
0x136: {  	v3 =	vld [tilespmem:s25+$0x4410];
	[tilespmem:s24+$0x4420] =	vst v2;
	v9 =	vmul.f32 $4.525483320e+01, v9  }
0x137: {  	v2 =	vld [tilespmem:s25+$0x4420];
	[tilespmem:s24+$0x4430] =	vst v4;
	v8 =	vmul.f32 $4.525483320e+01, v8  }
0x138: {  	v4 =	vld [tilespmem:s25+$0x4430];
	[tilespmem:s24+$0x4440] =	vst v9;
	v7 =	vmul.f32 $4.525483320e+01, v7  }
0x139: {  	v9 =	vld [tilespmem:s25+$0x4440];
	v6 =	vmul.f32 $4.525483320e+01, v6;
	[tilespmem:s24+$0x4450] =	vst v8  }
0x13a: {  	v62 =	vld [tilespmem:s25+$0x4450];
	v5 =	vmul.f32 $4.525483320e+01, v5;
	[tilespmem:s24+$0x4460] =	vst v7  }
0x13b: {  	v63 =	vld [tilespmem:s25+$0x4460];
	v3 =	vmul.f32 $4.525483320e+01, v3;
	[tilespmem:s25+$0x4470] =	vst v6  }
0x13c: {  	[tilespmem:s25+$0x4400] =	vst v5;
	v2 =	vmul.f32 $4.525483320e+01, v2  }
0x13d: {  	[tilespmem:s25+$0x4410] =	vst v3;
	v3 =	vmul.f32 $4.525483320e+01, v4  }
0x13e: {  	[tilespmem:s25+$0x4420] =	vst v2;
	v2 =	vmul.f32 $4.525483320e+01, v9  }
0x13f: {  	[tilespmem:s25+$0x4430] =	vst v3;
	v3 =	vmul.f32 $4.525483320e+01, v62  }
0x140: {  	[tilespmem:s25+$0x4440] =	vst v2;
	v2 =	vmul.f32 $4.525483320e+01, v63  }
0x141: {  	[tilespmem:s25+$0x4450] =	vst v3  }
0x142: {  	[tilespmem:s25+$0x4460] =	vst v2  }
0x143: {  	v2 =	vld [tilespmem:s7+$0x200];
	_ =	sdelay $0x4  }
0x144: {  	(v2sf) =	vpush v2, $0x9;
	_ =	sdelay $0xe  }
0x145: {  	s2 =	spop (v2sf)  }
0x146: {  	p0 =	seq.s32 s2, $0x0  }
.Ltmp12:
0x147: {  	_ = 	snop;
	(pc) =	sbr.rel @p0 .LBB2_26-.Ltmp12, $1  }
0x148: {  	_ =	sdelay $0x3  }
0x149: {  	s2 =	sadd.s32 $0x1, s2  }
0x14a: {  	s4 =	sshll.u32 s2, $0xB;
	s2 =	sshll.u32 s2, $0x7  }
0x14b: {  	s4 =	sand.u32 $0xFFFFC000, s4;
	s2 =	sand.u32 $0x380, s2  }
0x14c: {  	s7 =	simm.s32 $0x0;
	s2 =	sor.u32 s2, s4  }
0x14d: {  	s24 =	sand.u32 $0x3C00, s7;
	s4 =	sadd.s32 $0x4400, s2  }
0x14e: {  	s7 =	sand.u32 $0x70, s7;
	s2 =	sadd.s32 s24, s4  }
0x14f: {  	s2 =	sadd.s32 s7, s2  }
0x150: {  	v3 =	vld [tilespmem:s2+$0x0]  }
0x151: {  	s25 =	simm.s32 $0x10;
	s26 =	simm.s32 $0x80  }
.LBB2_24:
0x152: {  	s2 =	sand.u32 $0x3C00, s26;
	p0 =	sne.s32 s25, $0x7F0  }
0x153: {  	s28 =	smov.u32 s25;
	s25 =	sadd.s32 $0x10, s25;
	s24 =	sor.u32 s7, s24  }
.Ltmp13:
0x154: {  	s30 =	sadd.s32 s2, s4;
	s7 =	sand.u32 $0x70, s28;
	(pc) =	sbr.rel @p0 .LBB2_24-.Ltmp13, $3  }
0x155: {  	s28 =	sadd.s32 s7, s30;
	[tilespmem:s24+$0x4480] =	vst v3;
	s24 =	smov.u32 s2  }
0x156: {  	v3 =	vld [tilespmem:s28+$0x0];
	_ =	sdelay $0x1  }
0x157: {  	s26 =	sadd.s32 $0x80, s26  }
0x158: {  	_ = 	snop  }
0x159: {  	s2 =	sor.u32 s7, s24  }
0x15a: {  	[tilespmem:s2+$0x4480] =	vst v3  }
.LBB2_26:
0x15b: {  	(v2sf) =	vpush v2, $0xB;
	_ =	sdelay $0xe  }
0x15c: {  	s2 =	spop (v2sf)  }
0x15d: {  	p0 =	seq.s32 s2, $0x0  }
.Ltmp14:
0x15e: {  	_ = 	snop;
	(pc) =	sbr.rel @p0 .LBB2_30-.Ltmp14, $1  }
0x15f: {  	_ =	sdelay $0x3  }
0x160: {  	s2 =	sadd.s32 $0x3, s2  }
0x161: {  	s4 =	sshll.u32 s2, $0xB;
	s2 =	sshll.u32 s2, $0x7  }
0x162: {  	s4 =	sand.u32 $0xFFFFC000, s4;
	s2 =	sand.u32 $0x380, s2  }
0x163: {  	s7 =	simm.s32 $0x0;
	s2 =	sor.u32 s2, s4  }
0x164: {  	s24 =	sand.u32 $0x3C00, s7;
	s4 =	sadd.s32 $0x4400, s2  }
0x165: {  	s7 =	sand.u32 $0x70, s7;
	s2 =	sadd.s32 s24, s4  }
0x166: {  	s2 =	sadd.s32 s7, s2  }
0x167: {  	v3 =	vld [tilespmem:s2+$0x0]  }
0x168: {  	s25 =	simm.s32 $0x10;
	s26 =	simm.s32 $0x80  }
.LBB2_28:
0x169: {  	s2 =	sand.u32 $0x3C00, s26;
	p0 =	sne.s32 s25, $0x7F0  }
0x16a: {  	s28 =	smov.u32 s25;
	s25 =	sadd.s32 $0x10, s25;
	s24 =	sor.u32 s7, s24  }
.Ltmp15:
0x16b: {  	s30 =	sadd.s32 s2, s4;
	s7 =	sand.u32 $0x70, s28;
	(pc) =	sbr.rel @p0 .LBB2_28-.Ltmp15, $3  }
0x16c: {  	s28 =	sadd.s32 s7, s30;
	[tilespmem:s24+$0x4580] =	vst v3;
	s24 =	smov.u32 s2  }
0x16d: {  	v3 =	vld [tilespmem:s28+$0x0];
	_ =	sdelay $0x1  }
0x16e: {  	s26 =	sadd.s32 $0x80, s26  }
0x16f: {  	_ = 	snop  }
0x170: {  	s2 =	sor.u32 s7, s24  }
0x171: {  	[tilespmem:s2+$0x4580] =	vst v3  }
.LBB2_30:
0x172: {  	(v2sf) =	vpush v2, $0xD;
	_ =	sdelay $0xe  }
0x173: {  	s2 =	spop (v2sf)  }
0x174: {  	p0 =	seq.s32 s2, $0x0  }
.Ltmp16:
0x175: {  	_ = 	snop;
	(pc) =	sbr.rel @p0 .LBB2_34-.Ltmp16, $1  }
0x176: {  	_ =	sdelay $0x3  }
0x177: {  	s2 =	sadd.s32 $0x5, s2  }
0x178: {  	s4 =	sshll.u32 s2, $0xB;
	s2 =	sshll.u32 s2, $0x7  }
0x179: {  	s4 =	sand.u32 $0xFFFFC000, s4;
	s2 =	sand.u32 $0x380, s2  }
0x17a: {  	s7 =	simm.s32 $0x0;
	s2 =	sor.u32 s2, s4  }
0x17b: {  	s24 =	sand.u32 $0x3C00, s7;
	s4 =	sadd.s32 $0x4400, s2  }
0x17c: {  	s7 =	sand.u32 $0x70, s7;
	s2 =	sadd.s32 s24, s4  }
0x17d: {  	s2 =	sadd.s32 s7, s2  }
0x17e: {  	v3 =	vld [tilespmem:s2+$0x0]  }
0x17f: {  	s25 =	simm.s32 $0x10;
	s26 =	simm.s32 $0x80  }
.LBB2_32:
0x180: {  	s2 =	sand.u32 $0x3C00, s26;
	p0 =	sne.s32 s25, $0x7F0  }
0x181: {  	s28 =	smov.u32 s25;
	s25 =	sadd.s32 $0x10, s25;
	s24 =	sor.u32 s7, s24  }
.Ltmp17:
0x182: {  	s30 =	sadd.s32 s2, s4;
	s7 =	sand.u32 $0x70, s28;
	(pc) =	sbr.rel @p0 .LBB2_32-.Ltmp17, $3  }
0x183: {  	s28 =	sadd.s32 s7, s30;
	[tilespmem:s24+$0x4680] =	vst v3;
	s24 =	smov.u32 s2  }
0x184: {  	v3 =	vld [tilespmem:s28+$0x0];
	_ =	sdelay $0x1  }
0x185: {  	s26 =	sadd.s32 $0x80, s26  }
0x186: {  	_ = 	snop  }
0x187: {  	s2 =	sor.u32 s7, s24  }
0x188: {  	[tilespmem:s2+$0x4680] =	vst v3  }
.LBB2_34:
0x189: {  	(v2sf) =	vpush v2, $0xF;
	_ =	sdelay $0xe  }
0x18a: {  	s2 =	spop (v2sf)  }
0x18b: {  	p0 =	seq.s32 s2, $0x0  }
.Ltmp18:
0x18c: {  	_ = 	snop;
	(pc) =	sbr.rel @p0 .LBB2_38-.Ltmp18, $1  }
0x18d: {  	_ =	sdelay $0x3  }
0x18e: {  	s2 =	sadd.s32 $0x7, s2  }
0x18f: {  	s4 =	sshll.u32 s2, $0xB;
	s2 =	sshll.u32 s2, $0x7  }
0x190: {  	s4 =	sand.u32 $0xFFFFC000, s4;
	s2 =	sand.u32 $0x380, s2  }
0x191: {  	s24 =	simm.s32 $0x0;
	s2 =	sor.u32 s2, s4  }
0x192: {  	s31 =	sand.u32 $0x3C00, s24;
	s4 =	sadd.s32 $0x4400, s2  }
0x193: {  	s25 =	sand.u32 $0x70, s24;
	s2 =	sadd.s32 s31, s4  }
0x194: {  	s7 =	simm.s32 $0x10;
	s2 =	sadd.s32 s25, s2  }
0x195: {  	s26 =	simm.s32 $0x0;
	s28 =	sand.u32 $0x7, s24;
	s25 =	simm.s32 $0x80;
	v2 =	vld [tilespmem:s2+$0x0]  }
.LBB2_36:
0x196: {  	s2 =	sand.u32 $0x3C00, s25  }
0x197: {  	s28 =	sshll.u32 s28, $0x4;
	s30 =	smov.u32 s7;
	p0 =	sne.s32 s7, $0x7F0  }
.Ltmp19:
0x198: {  	s7 =	sadd.s32 $0x10, s7;
	s24 =	sadd.s32 s28, s24;
	(pc) =	sbr.rel @p0 .LBB2_36-.Ltmp19, $4  }
0x199: {  	s28 =	sand.u32 $0x70, s30;
	s2 =	sadd.s32 s2, s4;
	s24 =	sor.u32 $0x380, s24  }
0x19a: {  	s2 =	sadd.s32 s28, s2;
	[tilespmem:s24+$0x4400] =	vst v2;
	s24 =	smov.u32 s25  }
0x19b: {  	s26 =	sadd.s32 $0x1, s26;
	v2 =	vld [tilespmem:s2+$0x0]  }
0x19c: {  	s28 =	sand.u32 $0x7, s26;
	s25 =	sadd.s32 $0x80, s25  }
0x19d: {  	s2 =	sshll.u32 s28, $0x4  }
0x19e: {  	s2 =	sadd.s32 s2, s24  }
0x19f: {  	s2 =	sor.u32 $0x380, s2  }
0x1a0: {  	[tilespmem:s2+$0x4400] =	vst v2  }
.LBB2_38:
0x1a1: {  	s2 =	sshll.u32 s6, $0xD  }
0x1a2: {  	s4 =	sadd.s32 s2, s15  }
0x1a3: {  	s7 =	simm.s32 $0x4400;
	p0 =	seq.s32 s6, $0xF;
	s2 =	sadd.s32 $0x800, s4  }
0x1a4: {  	[hbm4b:s2+s5] =	stream.linear.scatter [tilespmem:s7], [sflag:$0x6], $0x4000, $0x38;
	[tilespmem:$0x10400] =	vst v63  }
0x1a5: {  	s2 =	simm.s32 @!p0 $0x5  }
0x1a6: {  	_ =	swait.ge @!p0 [sflag:s2], $0x4000  }
0x1a7: {  	s7 =	sshll.u32 @!p0 s6, $0x5;
	[sflag:s2] =	ssyncset.done @!p0 $0x0  }
0x1a8: {  	[sflag:s2] =	ssyncadd.s32 @!p0 $0xFFFFC000;
	s2 =	sand.u32 @!p0 $0x3FFFFFE0, s7  }
0x1a9: {  	v2 =	vld.msk @!p0 [tilespmem:s2+$0x20], $0xff;
	_ =	sdelay $0x4  }
0x1aa: {  	v3 =	vshll.u32 @!p0 v2, $0x4  }
0x1ab: {  	v4 =	vlaneseq.u32 @!p0;
	v2 =	vand.u32 @!p0 $0x7, v2;
	v3 =	vand.u32 @!p0 $0xFFFFFF80, v3  }
0x1ac: {  	v2 =	vor.u32 @!p0 v2, v3;
	v3 =	vand.u32 @!p0 $0x7, v4;
	v4 =	vshrl.u32 @!p0 v4, $0x3  }
0x1ad: {  	v2 =	vperm.xlane @!p0 v2, v3;
	v3 =	vmul.u32 @!p0 $0x8, v4;
	_ =	sdelay $0x1  }
0x1ae: {  	v2 =	vadd.s32 @!p0 v3, v2;
	_ =	sdelay $0x3  }
0x1af: {  	vm1 =	vmmov @!p0 $0xffff;
	s7 =	simm.s32 @!p0 $0x400;
	s2 =	simm.s32 @!p0 $0x0  }
0x1b0: {  	[tilespmem:s7], [sflag:$0x1] =	stream.indirect_vreg.gather @!p0 [hbm4b:s1+s2], $0x80, v2, vm1, $0xb8;
	[tilespmem:$0x10400] =	vst v63  }
0x1b1: {  	s7 =	simm.s32 @!p0 $0xC00  }
0x1b2: {  	[tilespmem:s7], [sflag:$0x1] =	stream.indirect_vreg.gather @!p0 [hbm4b:s8+s2], $0x80, v2, vm1, $0xb8;
	[tilespmem:$0x10400] =	vst v63  }
0x1b3: {  	s7 =	simm.s32 @!p0 $0x1400  }
0x1b4: {  	[tilespmem:s7], [sflag:$0x1] =	stream.indirect_vreg.gather @!p0 [hbm4b:s9+s2], $0x80, v2, vm1, $0xb8;
	[tilespmem:$0x10400] =	vst v63  }
0x1b5: {  	s7 =	simm.s32 @!p0 $0x1C00  }
0x1b6: {  	[tilespmem:s7], [sflag:$0x1] =	stream.indirect_vreg.gather @!p0 [hbm4b:s10+s2], $0x80, v2, vm1, $0xb8;
	[tilespmem:$0x10400] =	vst v63  }
0x1b7: {  	s7 =	simm.s32 @!p0 $0x2400  }
0x1b8: {  	[tilespmem:s7], [sflag:$0x1] =	stream.indirect_vreg.gather @!p0 [hbm4b:s11+s2], $0x80, v2, vm1, $0xb8;
	[tilespmem:$0x10400] =	vst v63  }
0x1b9: {  	s7 =	simm.s32 @!p0 $0x2C00  }
0x1ba: {  	[tilespmem:s7], [sflag:$0x1] =	stream.indirect_vreg.gather @!p0 [hbm4b:s12+s2], $0x80, v2, vm1, $0xb8;
	[tilespmem:$0x10400] =	vst v63  }
0x1bb: {  	s7 =	simm.s32 @!p0 $0x3400  }
0x1bc: {  	[tilespmem:s7], [sflag:$0x1] =	stream.indirect_vreg.gather @!p0 [hbm4b:s13+s2], $0x80, v2, vm1, $0xb8;
	[tilespmem:$0x10400] =	vst v63  }
0x1bd: {  	s7 =	simm.s32 @!p0 $0x3C00  }
0x1be: {  	[tilespmem:s7], [sflag:$0x1] =	stream.indirect_vreg.gather @!p0 [hbm4b:s14+s2], $0x80, v2, vm1, $0xb8;
	[tilespmem:$0x10400] =	vst v63  }
0x1bf: {  	s28 =	simm.s32 $0x0;
	s29 =	simm.s32 $0x0;
	_ =	swait.ge [sflag:s21], $0x4000  }
0x1c0: {  	s7 =	sand.u32 $0x380, s29;
	s2 =	sand.u32 $0x3C00, s28;
	[sflag:s21] =	ssyncset.done $0x0  }
0x1c1: {  	s24 =	sor.u32 s7, s2;
	[sflag:s21] =	ssyncadd.s32 $0xFFFFC000  }
0x1c2: {  	v2 =	vld [tilespmem:s24+$0x8470]  }
0x1c3: {  	v3 =	vld [tilespmem:s24+$0x8400]  }
0x1c4: {  	v4 =	vld [tilespmem:s24+$0x8410]  }
0x1c5: {  	v5 =	vld [tilespmem:s24+$0x8420]  }
0x1c6: {  	v7 =	vld [tilespmem:s24+$0x8430]  }
0x1c7: {  	s25 =	simm.s32 $0x8;
	s26 =	simm.s32 $0x400;
	v8 =	vld [tilespmem:s24+$0x8440];
	v2 =	vmul.f32 $4.525483320e+01, v2  }
0x1c8: {  	s30 =	sand.u32 $0x380, s25;
	s31 =	sand.u32 $0x3C00, s26;
	v9 =	vld [tilespmem:s24+$0x8450];
	v3 =	vmul.f32 $4.525483320e+01, v3  }
0x1c9: {  	s7 =	sor.u32 s30, s31;
	v10 =	vld [tilespmem:s24+$0x8460];
	v4 =	vmul.f32 $4.525483320e+01, v4;
	[tilespmem:s24+$0x8470] =	vst v2  }
0x1ca: {  	v6 =	vld [tilespmem:s7+$0x8470];
	[tilespmem:s24+$0x8400] =	vst v3;
	v2 =	vmul.f32 $4.525483320e+01, v5  }
0x1cb: {  	v5 =	vld [tilespmem:s7+$0x8400];
	[tilespmem:s24+$0x8410] =	vst v4;
	v3 =	vmul.f32 $4.525483320e+01, v7  }
0x1cc: {  	v4 =	vld [tilespmem:s7+$0x8410];
	v7 =	vmul.f32 $4.525483320e+01, v8;
	[tilespmem:s24+$0x8420] =	vst v2  }
0x1cd: {  	v8 =	vmul.f32 $4.525483320e+01, v9;
	v2 =	vld [tilespmem:s7+$0x8420];
	[tilespmem:s24+$0x8430] =	vst v3  }
0x1ce: {  	v3 =	vld [tilespmem:s7+$0x8430];
	[tilespmem:s24+$0x8440] =	vst v7;
	v7 =	vmul.f32 $4.525483320e+01, v10  }
.LBB2_39:
0x1cf: {  	s25 =	sadd.s32 $0x8, s25;
	v9 =	vld [tilespmem:s7+$0x8440];
	v6 =	vmul.f32 $4.525483320e+01, v6;
	s26 =	sadd.s32 $0x400, s26;
	[tilespmem:s24+$0x8450] =	vst v8  }
0x1d0: {  	s2 =	sand.u32 $0x380, s25;
	s28 =	sand.u32 $0x3C00, s26;
	v5 =	vmul.f32 $4.525483320e+01, v5;
	v8 =	vld [tilespmem:s7+$0x8450];
	[tilespmem:s24+$0x8460] =	vst v7;
	s24 =	smov.u32 s7  }
0x1d1: {  	p1 =	slt.u32 s25, $0x3F8;
	s7 =	sor.u32 s2, s28;
	v4 =	vmul.f32 $4.525483320e+01, v4;
	v7 =	vld [tilespmem:s24+$0x8460];
	[tilespmem:s24+$0x8470] =	vst v6  }
.Ltmp20:
0x1d2: {  	v6 =	vld [tilespmem:s7+$0x8470];
	[tilespmem:s24+$0x8400] =	vst v5;
	v2 =	vmul.f32 $4.525483320e+01, v2;
	(pc) =	sbr.rel @p1 .LBB2_39-.Ltmp20, $4  }
0x1d3: {  	v5 =	vld [tilespmem:s7+$0x8400];
	[tilespmem:s24+$0x8410] =	vst v4;
	v3 =	vmul.f32 $4.525483320e+01, v3  }
0x1d4: {  	v4 =	vld [tilespmem:s7+$0x8410];
	[tilespmem:s24+$0x8420] =	vst v2;
	v9 =	vmul.f32 $4.525483320e+01, v9  }
0x1d5: {  	v2 =	vld [tilespmem:s7+$0x8420];
	[tilespmem:s24+$0x8430] =	vst v3;
	v8 =	vmul.f32 $4.525483320e+01, v8  }
0x1d6: {  	v3 =	vld [tilespmem:s7+$0x8430];
	[tilespmem:s24+$0x8440] =	vst v9;
	v7 =	vmul.f32 $4.525483320e+01, v7  }
0x1d7: {  	v9 =	vld [tilespmem:s7+$0x8440];
	v6 =	vmul.f32 $4.525483320e+01, v6;
	[tilespmem:s24+$0x8450] =	vst v8  }
0x1d8: {  	v62 =	vld [tilespmem:s7+$0x8450];
	v5 =	vmul.f32 $4.525483320e+01, v5;
	[tilespmem:s24+$0x8460] =	vst v7  }
0x1d9: {  	v63 =	vld [tilespmem:s7+$0x8460];
	v4 =	vmul.f32 $4.525483320e+01, v4;
	[tilespmem:s7+$0x8470] =	vst v6  }
0x1da: {  	[tilespmem:s7+$0x8400] =	vst v5;
	v2 =	vmul.f32 $4.525483320e+01, v2  }
0x1db: {  	[tilespmem:s7+$0x8410] =	vst v4;
	v3 =	vmul.f32 $4.525483320e+01, v3  }
0x1dc: {  	[tilespmem:s7+$0x8420] =	vst v2;
	v2 =	vmul.f32 $4.525483320e+01, v9  }
0x1dd: {  	[tilespmem:s7+$0x8430] =	vst v3;
	v3 =	vmul.f32 $4.525483320e+01, v62  }
0x1de: {  	[tilespmem:s7+$0x8440] =	vst v2;
	v2 =	vmul.f32 $4.525483320e+01, v63  }
0x1df: {  	s24 =	sshll.u32 s6, $0x7;
	[tilespmem:s7+$0x8450] =	vst v3  }
0x1e0: {  	[tilespmem:s7+$0x8460] =	vst v2;
	s7 =	sshrl.u32 s24, $0x2  }
0x1e1: {  	v2 =	vld [tilespmem:s7+$0x210];
	_ =	sdelay $0x4  }
0x1e2: {  	(v2sf) =	vpush v2, $0x1;
	_ =	sdelay $0xe  }
0x1e3: {  	s2 =	spop (v2sf)  }
0x1e4: {  	p1 =	seq.s32 s2, $0x0  }
.Ltmp21:
0x1e5: {  	_ = 	snop;
	(pc) =	sbr.rel @p1 .LBB2_44-.Ltmp21, $1  }
0x1e6: {  	_ =	sdelay $0x3  }
0x1e7: {  	s2 =	sadd.s32 $0x1, s2  }
0x1e8: {  	s25 =	sshll.u32 s2, $0xB;
	s2 =	sshll.u32 s2, $0x7  }
0x1e9: {  	s25 =	sand.u32 $0xFFFFC000, s25;
	s2 =	sand.u32 $0x380, s2  }
0x1ea: {  	s26 =	simm.s32 $0x0;
	s2 =	sor.u32 s2, s25  }
0x1eb: {  	s28 =	sand.u32 $0x3C00, s26;
	s25 =	sadd.s32 $0x8400, s2  }
0x1ec: {  	s26 =	sand.u32 $0x70, s26;
	s2 =	sadd.s32 s28, s25  }
0x1ed: {  	s2 =	sadd.s32 s26, s2  }
0x1ee: {  	v3 =	vld [tilespmem:s2+$0x0]  }
0x1ef: {  	s30 =	simm.s32 $0x10;
	s31 =	simm.s32 $0x80  }
.LBB2_42:
0x1f0: {  	s2 =	sand.u32 $0x3C00, s31;
	p1 =	sne.s32 s30, $0x7F0  }
0x1f1: {  	s17 =	smov.u32 s30;
	s30 =	sadd.s32 $0x10, s30;
	s28 =	sor.u32 s26, s28  }
.Ltmp22:
0x1f2: {  	s29 =	sadd.s32 s2, s25;
	s26 =	sand.u32 $0x70, s17;
	(pc) =	sbr.rel @p1 .LBB2_42-.Ltmp22, $3  }
0x1f3: {  	s17 =	sadd.s32 s26, s29;
	[tilespmem:s28+$0x8480] =	vst v3;
	s28 =	smov.u32 s2  }
0x1f4: {  	v3 =	vld [tilespmem:s17+$0x0];
	_ =	sdelay $0x1  }
0x1f5: {  	s31 =	sadd.s32 $0x80, s31  }
0x1f6: {  	_ = 	snop  }
0x1f7: {  	s2 =	sor.u32 s26, s28  }
0x1f8: {  	[tilespmem:s2+$0x8480] =	vst v3  }
.LBB2_44:
0x1f9: {  	(v2sf) =	vpush v2, $0x3;
	_ =	sdelay $0xe  }
0x1fa: {  	s2 =	spop (v2sf)  }
0x1fb: {  	p1 =	seq.s32 s2, $0x0  }
.Ltmp23:
0x1fc: {  	_ = 	snop;
	(pc) =	sbr.rel @p1 .LBB2_48-.Ltmp23, $1  }
0x1fd: {  	_ =	sdelay $0x3  }
0x1fe: {  	s2 =	sadd.s32 $0x3, s2  }
0x1ff: {  	s17 =	sshll.u32 s2, $0xB;
	s2 =	sshll.u32 s2, $0x7  }
0x200: {  	s17 =	sand.u32 $0xFFFFC000, s17;
	s2 =	sand.u32 $0x380, s2  }
0x201: {  	s29 =	simm.s32 $0x0;
	s2 =	sor.u32 s2, s17  }
0x202: {  	s28 =	sand.u32 $0x3C00, s29;
	s25 =	sadd.s32 $0x8400, s2  }
0x203: {  	s26 =	sand.u32 $0x70, s29;
	s2 =	sadd.s32 s28, s25  }
0x204: {  	s2 =	sadd.s32 s26, s2  }
0x205: {  	v3 =	vld [tilespmem:s2+$0x0]  }
0x206: {  	s30 =	simm.s32 $0x10;
	s31 =	simm.s32 $0x80  }
.LBB2_46:
0x207: {  	s2 =	sand.u32 $0x3C00, s31;
	p1 =	sne.s32 s30, $0x7F0  }
0x208: {  	s17 =	smov.u32 s30;
	s30 =	sadd.s32 $0x10, s30;
	s28 =	sor.u32 s26, s28  }
.Ltmp24:
0x209: {  	s29 =	sadd.s32 s2, s25;
	s26 =	sand.u32 $0x70, s17;
	(pc) =	sbr.rel @p1 .LBB2_46-.Ltmp24, $3  }
0x20a: {  	s17 =	sadd.s32 s26, s29;
	[tilespmem:s28+$0x8580] =	vst v3;
	s28 =	smov.u32 s2  }
0x20b: {  	v3 =	vld [tilespmem:s17+$0x0];
	_ =	sdelay $0x1  }
0x20c: {  	s31 =	sadd.s32 $0x80, s31  }
0x20d: {  	_ = 	snop  }
0x20e: {  	s2 =	sor.u32 s26, s28  }
0x20f: {  	[tilespmem:s2+$0x8580] =	vst v3  }
.LBB2_48:
0x210: {  	(v2sf) =	vpush v2, $0x5;
	_ =	sdelay $0xe  }
0x211: {  	s2 =	spop (v2sf)  }
0x212: {  	p1 =	seq.s32 s2, $0x0  }
.Ltmp25:
0x213: {  	_ = 	snop;
	(pc) =	sbr.rel @p1 .LBB2_52-.Ltmp25, $1  }
0x214: {  	_ =	sdelay $0x3  }
0x215: {  	s2 =	sadd.s32 $0x5, s2  }
0x216: {  	s17 =	sshll.u32 s2, $0xB;
	s2 =	sshll.u32 s2, $0x7  }
0x217: {  	s17 =	sand.u32 $0xFFFFC000, s17;
	s2 =	sand.u32 $0x380, s2  }
0x218: {  	s29 =	simm.s32 $0x0;
	s2 =	sor.u32 s2, s17  }
0x219: {  	s28 =	sand.u32 $0x3C00, s29;
	s25 =	sadd.s32 $0x8400, s2  }
0x21a: {  	s26 =	sand.u32 $0x70, s29;
	s2 =	sadd.s32 s28, s25  }
0x21b: {  	s2 =	sadd.s32 s26, s2  }
0x21c: {  	v3 =	vld [tilespmem:s2+$0x0]  }
0x21d: {  	s30 =	simm.s32 $0x10;
	s31 =	simm.s32 $0x80  }
.LBB2_50:
0x21e: {  	s2 =	sand.u32 $0x3C00, s31;
	p1 =	sne.s32 s30, $0x7F0  }
0x21f: {  	s17 =	smov.u32 s30;
	s30 =	sadd.s32 $0x10, s30;
	s28 =	sor.u32 s26, s28  }
.Ltmp26:
0x220: {  	s29 =	sadd.s32 s2, s25;
	s26 =	sand.u32 $0x70, s17;
	(pc) =	sbr.rel @p1 .LBB2_50-.Ltmp26, $3  }
0x221: {  	s17 =	sadd.s32 s26, s29;
	[tilespmem:s28+$0x8680] =	vst v3;
	s28 =	smov.u32 s2  }
0x222: {  	v3 =	vld [tilespmem:s17+$0x0];
	_ =	sdelay $0x1  }
0x223: {  	s31 =	sadd.s32 $0x80, s31  }
0x224: {  	_ = 	snop  }
0x225: {  	s2 =	sor.u32 s26, s28  }
0x226: {  	[tilespmem:s2+$0x8680] =	vst v3  }
.LBB2_52:
0x227: {  	(v2sf) =	vpush v2, $0x7;
	_ =	sdelay $0xe  }
0x228: {  	s2 =	spop (v2sf)  }
0x229: {  	p1 =	seq.s32 s2, $0x0  }
.Ltmp27:
0x22a: {  	_ = 	snop;
	(pc) =	sbr.rel @p1 .LBB2_56-.Ltmp27, $1  }
0x22b: {  	_ =	sdelay $0x3  }
0x22c: {  	s2 =	sadd.s32 $0x7, s2  }
0x22d: {  	s17 =	sshll.u32 s2, $0xB;
	s2 =	sshll.u32 s2, $0x7  }
0x22e: {  	s17 =	sand.u32 $0xFFFFC000, s17;
	s2 =	sand.u32 $0x380, s2  }
0x22f: {  	s28 =	simm.s32 $0x0;
	s2 =	sor.u32 s2, s17  }
0x230: {  	s26 =	sand.u32 $0x3C00, s28;
	s25 =	sadd.s32 $0x8400, s2  }
0x231: {  	s29 =	sand.u32 $0x70, s28;
	s2 =	sadd.s32 s26, s25  }
0x232: {  	s30 =	simm.s32 $0x80;
	s2 =	sadd.s32 s29, s2  }
0x233: {  	s31 =	simm.s32 $0x0;
	s26 =	simm.s32 $0x10;
	v2 =	vld [tilespmem:s2+$0x0];
	s2 =	sand.u32 $0x7, s28  }
.LBB2_54:
0x234: {  	s17 =	sand.u32 $0x3C00, s30  }
0x235: {  	s2 =	sshll.u32 s2, $0x4;
	s29 =	smov.u32 s26;
	p1 =	sne.s32 s26, $0x7F0  }
.Ltmp28:
0x236: {  	s26 =	sadd.s32 $0x10, s26;
	s2 =	sadd.s32 s2, s28;
	(pc) =	sbr.rel @p1 .LBB2_54-.Ltmp28, $4  }
0x237: {  	s28 =	sand.u32 $0x70, s29;
	s17 =	sadd.s32 s17, s25;
	s2 =	sor.u32 $0x380, s2  }
0x238: {  	s17 =	sadd.s32 s28, s17;
	s28 =	smov.u32 s30;
	[tilespmem:s2+$0x8400] =	vst v2  }
0x239: {  	s31 =	sadd.s32 $0x1, s31;
	v2 =	vld [tilespmem:s17+$0x0]  }
0x23a: {  	s30 =	sadd.s32 $0x80, s30;
	s2 =	sand.u32 $0x7, s31  }
0x23b: {  	s2 =	sshll.u32 s2, $0x4  }
0x23c: {  	s2 =	sadd.s32 s2, s28  }
0x23d: {  	s2 =	sor.u32 $0x380, s2  }
0x23e: {  	[tilespmem:s2+$0x8400] =	vst v2  }
.LBB2_56:
0x23f: {  	s2 =	sadd.s32 $0x1000, s4  }
0x240: {  	[hbm4b:s2+s5] =	stream.linear.scatter [tilespmem:s23], [sflag:$0x7], $0x4000, $0x38;
	[tilespmem:$0x10400] =	vst v63  }
0x241: {  	s2 =	simm.s32 @!p0 $0x6  }
0x242: {  	_ =	swait.ge @!p0 [sflag:s2], $0x4000  }
0x243: {  	[sflag:s2] =	ssyncset.done @!p0 $0x0  }
0x244: {  	[sflag:s2] =	ssyncadd.s32 @!p0 $0xFFFFC000;
	s2 =	sshrl.u32 @!p0 s24, $0x2  }
0x245: {  	v2 =	vld.msk @!p0 [tilespmem:s2+$0x28], $0xff;
	_ =	sdelay $0x4  }
0x246: {  	v3 =	vshll.u32 @!p0 v2, $0x4  }
0x247: {  	v4 =	vlaneseq.u32 @!p0;
	v2 =	vand.u32 @!p0 $0x7, v2;
	v3 =	vand.u32 @!p0 $0xFFFFFF80, v3  }
0x248: {  	v2 =	vor.u32 @!p0 v2, v3;
	v3 =	vand.u32 @!p0 $0x7, v4;
	v4 =	vshrl.u32 @!p0 v4, $0x3  }
0x249: {  	v2 =	vperm.xlane @!p0 v2, v3;
	v3 =	vmul.u32 @!p0 $0x8, v4;
	_ =	sdelay $0x1  }
0x24a: {  	v2 =	vadd.s32 @!p0 v3, v2;
	_ =	sdelay $0x3  }
0x24b: {  	s4 =	simm.s32 @!p0 $0x4400;
	s2 =	simm.s32 @!p0 $0x0  }
0x24c: {  	[tilespmem:s4], [sflag:$0x2] =	stream.indirect_vreg.gather @!p0 [hbm4b:s1+s2], $0x80, v2, vm1, $0xb8;
	[tilespmem:$0x10400] =	vst v63  }
0x24d: {  	s4 =	simm.s32 @!p0 $0x4C00  }
0x24e: {  	[tilespmem:s4], [sflag:$0x2] =	stream.indirect_vreg.gather @!p0 [hbm4b:s8+s2], $0x80, v2, vm1, $0xb8;
	[tilespmem:$0x10400] =	vst v63  }
0x24f: {  	s4 =	simm.s32 @!p0 $0x5400  }
0x250: {  	[tilespmem:s4], [sflag:$0x2] =	stream.indirect_vreg.gather @!p0 [hbm4b:s9+s2], $0x80, v2, vm1, $0xb8;
	[tilespmem:$0x10400] =	vst v63  }
0x251: {  	s4 =	simm.s32 @!p0 $0x5C00  }
0x252: {  	[tilespmem:s4], [sflag:$0x2] =	stream.indirect_vreg.gather @!p0 [hbm4b:s10+s2], $0x80, v2, vm1, $0xb8;
	[tilespmem:$0x10400] =	vst v63  }
0x253: {  	s4 =	simm.s32 @!p0 $0x6400  }
0x254: {  	[tilespmem:s4], [sflag:$0x2] =	stream.indirect_vreg.gather @!p0 [hbm4b:s11+s2], $0x80, v2, vm1, $0xb8;
	[tilespmem:$0x10400] =	vst v63  }
0x255: {  	s4 =	simm.s32 @!p0 $0x6C00  }
0x256: {  	[tilespmem:s4], [sflag:$0x2] =	stream.indirect_vreg.gather @!p0 [hbm4b:s12+s2], $0x80, v2, vm1, $0xb8;
	[tilespmem:$0x10400] =	vst v63  }
0x257: {  	s4 =	simm.s32 @!p0 $0x7400  }
0x258: {  	[tilespmem:s4], [sflag:$0x2] =	stream.indirect_vreg.gather @!p0 [hbm4b:s13+s2], $0x80, v2, vm1, $0xb8;
	[tilespmem:$0x10400] =	vst v63  }
0x259: {  	s4 =	simm.s32 @!p0 $0x7C00  }
0x25a: {  	[tilespmem:s4], [sflag:$0x2] =	stream.indirect_vreg.gather @!p0 [hbm4b:s14+s2], $0x80, v2, vm1, $0xb8;
	[tilespmem:$0x10400] =	vst v63  }
0x25b: {  	s29 =	simm.s32 $0x0;
	s30 =	simm.s32 $0x0;
	_ =	swait.ge [sflag:s22], $0x4000  }
0x25c: {  	s4 =	sand.u32 $0x380, s30;
	s2 =	sand.u32 $0x3C00, s29;
	[sflag:s22] =	ssyncset.done $0x0  }
0x25d: {  	s4 =	sor.u32 s4, s2;
	[sflag:s22] =	ssyncadd.s32 $0xFFFFC000  }
0x25e: {  	v2 =	vld [tilespmem:s4+$0xC470]  }
0x25f: {  	v3 =	vld [tilespmem:s4+$0xC400]  }
0x260: {  	v4 =	vld [tilespmem:s4+$0xC410]  }
0x261: {  	v5 =	vld [tilespmem:s4+$0xC420]  }
0x262: {  	v7 =	vld [tilespmem:s4+$0xC430]  }
0x263: {  	s25 =	simm.s32 $0x8;
	s26 =	simm.s32 $0x400;
	v8 =	vld [tilespmem:s4+$0xC440];
	v2 =	vmul.f32 $4.525483320e+01, v2  }
0x264: {  	s31 =	sand.u32 $0x380, s25;
	s17 =	sand.u32 $0x3C00, s26;
	v9 =	vld [tilespmem:s4+$0xC450];
	v3 =	vmul.f32 $4.525483320e+01, v3  }
0x265: {  	s24 =	sor.u32 s31, s17;
	v10 =	vld [tilespmem:s4+$0xC460];
	v4 =	vmul.f32 $4.525483320e+01, v4;
	[tilespmem:s4+$0xC470] =	vst v2  }
0x266: {  	v6 =	vld [tilespmem:s24+$0xC470];
	[tilespmem:s4+$0xC400] =	vst v3;
	v2 =	vmul.f32 $4.525483320e+01, v5  }
0x267: {  	v5 =	vld [tilespmem:s24+$0xC400];
	[tilespmem:s4+$0xC410] =	vst v4;
	v3 =	vmul.f32 $4.525483320e+01, v7  }
0x268: {  	v4 =	vld [tilespmem:s24+$0xC410];
	v7 =	vmul.f32 $4.525483320e+01, v8;
	[tilespmem:s4+$0xC420] =	vst v2  }
0x269: {  	v8 =	vmul.f32 $4.525483320e+01, v9;
	v2 =	vld [tilespmem:s24+$0xC420];
	[tilespmem:s4+$0xC430] =	vst v3  }
0x26a: {  	v3 =	vld [tilespmem:s24+$0xC430];
	[tilespmem:s4+$0xC440] =	vst v7;
	v7 =	vmul.f32 $4.525483320e+01, v10  }
.LBB2_57:
0x26b: {  	s25 =	sadd.s32 $0x8, s25;
	v9 =	vld [tilespmem:s24+$0xC440];
	v6 =	vmul.f32 $4.525483320e+01, v6;
	s26 =	sadd.s32 $0x400, s26;
	[tilespmem:s4+$0xC450] =	vst v8  }
0x26c: {  	s2 =	sand.u32 $0x380, s25;
	s17 =	sand.u32 $0x3C00, s26;
	v5 =	vmul.f32 $4.525483320e+01, v5;
	v8 =	vld [tilespmem:s24+$0xC450];
	[tilespmem:s4+$0xC460] =	vst v7;
	s4 =	smov.u32 s24  }
0x26d: {  	p1 =	slt.u32 s25, $0x3F8;
	s24 =	sor.u32 s2, s17;
	v4 =	vmul.f32 $4.525483320e+01, v4;
	v7 =	vld [tilespmem:s4+$0xC460];
	[tilespmem:s4+$0xC470] =	vst v6  }
.Ltmp29:
0x26e: {  	v6 =	vld [tilespmem:s24+$0xC470];
	[tilespmem:s4+$0xC400] =	vst v5;
	v2 =	vmul.f32 $4.525483320e+01, v2;
	(pc) =	sbr.rel @p1 .LBB2_57-.Ltmp29, $4  }
0x26f: {  	v5 =	vld [tilespmem:s24+$0xC400];
	[tilespmem:s4+$0xC410] =	vst v4;
	v3 =	vmul.f32 $4.525483320e+01, v3  }
0x270: {  	v4 =	vld [tilespmem:s24+$0xC410];
	[tilespmem:s4+$0xC420] =	vst v2;
	v9 =	vmul.f32 $4.525483320e+01, v9  }
0x271: {  	v2 =	vld [tilespmem:s24+$0xC420];
	[tilespmem:s4+$0xC430] =	vst v3;
	v8 =	vmul.f32 $4.525483320e+01, v8  }
0x272: {  	v3 =	vld [tilespmem:s24+$0xC430];
	[tilespmem:s4+$0xC440] =	vst v9;
	v7 =	vmul.f32 $4.525483320e+01, v7  }
0x273: {  	v9 =	vld [tilespmem:s24+$0xC440];
	v6 =	vmul.f32 $4.525483320e+01, v6;
	[tilespmem:s4+$0xC450] =	vst v8  }
0x274: {  	v62 =	vld [tilespmem:s24+$0xC450];
	v5 =	vmul.f32 $4.525483320e+01, v5;
	[tilespmem:s4+$0xC460] =	vst v7  }
0x275: {  	v63 =	vld [tilespmem:s24+$0xC460];
	v4 =	vmul.f32 $4.525483320e+01, v4;
	[tilespmem:s24+$0xC470] =	vst v6  }
0x276: {  	[tilespmem:s24+$0xC400] =	vst v5;
	v2 =	vmul.f32 $4.525483320e+01, v2  }
0x277: {  	[tilespmem:s24+$0xC410] =	vst v4;
	v3 =	vmul.f32 $4.525483320e+01, v3  }
0x278: {  	[tilespmem:s24+$0xC420] =	vst v2;
	v2 =	vmul.f32 $4.525483320e+01, v9  }
0x279: {  	[tilespmem:s24+$0xC430] =	vst v3;
	v3 =	vmul.f32 $4.525483320e+01, v62  }
0x27a: {  	[tilespmem:s24+$0xC440] =	vst v2;
	v2 =	vmul.f32 $4.525483320e+01, v63  }
0x27b: {  	[tilespmem:s24+$0xC450] =	vst v3  }
0x27c: {  	[tilespmem:s24+$0xC460] =	vst v2  }
0x27d: {  	v2 =	vld [tilespmem:s7+$0x210];
	_ =	sdelay $0x4  }
0x27e: {  	(v2sf) =	vpush v2, $0x9;
	_ =	sdelay $0xe  }
0x27f: {  	s2 =	spop (v2sf)  }
0x280: {  	p1 =	seq.s32 s2, $0x0  }
.Ltmp30:
0x281: {  	_ = 	snop;
	(pc) =	sbr.rel @p1 .LBB2_62-.Ltmp30, $1  }
0x282: {  	_ =	sdelay $0x3  }
0x283: {  	s2 =	sadd.s32 $0x1, s2  }
0x284: {  	s4 =	sshll.u32 s2, $0xB;
	s2 =	sshll.u32 s2, $0x7  }
0x285: {  	s4 =	sand.u32 $0xFFFFC000, s4;
	s2 =	sand.u32 $0x380, s2  }
0x286: {  	s17 =	simm.s32 $0x0;
	s2 =	sor.u32 s2, s4  }
0x287: {  	s25 =	sand.u32 $0x3C00, s17;
	s4 =	sadd.s32 $0xC400, s2  }
0x288: {  	s24 =	sand.u32 $0x70, s17;
	s2 =	sadd.s32 s25, s4  }
0x289: {  	s2 =	sadd.s32 s24, s2  }
0x28a: {  	v3 =	vld [tilespmem:s2+$0x0]  }
0x28b: {  	s26 =	simm.s32 $0x10;
	s28 =	simm.s32 $0x80  }
.LBB2_60:
0x28c: {  	s2 =	sand.u32 $0x3C00, s28;
	p1 =	sne.s32 s26, $0x7F0  }
0x28d: {  	s17 =	smov.u32 s26;
	s26 =	sadd.s32 $0x10, s26;
	s25 =	sor.u32 s24, s25  }
.Ltmp31:
0x28e: {  	s29 =	sadd.s32 s2, s4;
	s24 =	sand.u32 $0x70, s17;
	(pc) =	sbr.rel @p1 .LBB2_60-.Ltmp31, $3  }
0x28f: {  	s17 =	sadd.s32 s24, s29;
	[tilespmem:s25+$0xC480] =	vst v3;
	s25 =	smov.u32 s2  }
0x290: {  	v3 =	vld [tilespmem:s17+$0x0];
	_ =	sdelay $0x1  }
0x291: {  	s28 =	sadd.s32 $0x80, s28  }
0x292: {  	_ = 	snop  }
0x293: {  	s2 =	sor.u32 s24, s25  }
0x294: {  	[tilespmem:s2+$0xC480] =	vst v3  }
.LBB2_62:
0x295: {  	(v2sf) =	vpush v2, $0xB;
	_ =	sdelay $0xe  }
0x296: {  	s2 =	spop (v2sf)  }
0x297: {  	p1 =	seq.s32 s2, $0x0  }
.Ltmp32:
0x298: {  	_ = 	snop;
	(pc) =	sbr.rel @p1 .LBB2_66-.Ltmp32, $1  }
0x299: {  	_ =	sdelay $0x3  }
0x29a: {  	s2 =	sadd.s32 $0x3, s2  }
0x29b: {  	s4 =	sshll.u32 s2, $0xB;
	s2 =	sshll.u32 s2, $0x7  }
0x29c: {  	s4 =	sand.u32 $0xFFFFC000, s4;
	s2 =	sand.u32 $0x380, s2  }
0x29d: {  	s17 =	simm.s32 $0x0;
	s2 =	sor.u32 s2, s4  }
0x29e: {  	s25 =	sand.u32 $0x3C00, s17;
	s4 =	sadd.s32 $0xC400, s2  }
0x29f: {  	s24 =	sand.u32 $0x70, s17;
	s2 =	sadd.s32 s25, s4  }
0x2a0: {  	s2 =	sadd.s32 s24, s2  }
0x2a1: {  	v3 =	vld [tilespmem:s2+$0x0]  }
0x2a2: {  	s26 =	simm.s32 $0x10;
	s28 =	simm.s32 $0x80  }
.LBB2_64:
0x2a3: {  	s2 =	sand.u32 $0x3C00, s28;
	p1 =	sne.s32 s26, $0x7F0  }
0x2a4: {  	s17 =	smov.u32 s26;
	s26 =	sadd.s32 $0x10, s26;
	s25 =	sor.u32 s24, s25  }
.Ltmp33:
0x2a5: {  	s29 =	sadd.s32 s2, s4;
	s24 =	sand.u32 $0x70, s17;
	(pc) =	sbr.rel @p1 .LBB2_64-.Ltmp33, $3  }
0x2a6: {  	s17 =	sadd.s32 s24, s29;
	[tilespmem:s25+$0xC580] =	vst v3;
	s25 =	smov.u32 s2  }
0x2a7: {  	v3 =	vld [tilespmem:s17+$0x0];
	_ =	sdelay $0x1  }
0x2a8: {  	s28 =	sadd.s32 $0x80, s28  }
0x2a9: {  	_ = 	snop  }
0x2aa: {  	s2 =	sor.u32 s24, s25  }
0x2ab: {  	[tilespmem:s2+$0xC580] =	vst v3  }
.LBB2_66:
0x2ac: {  	(v2sf) =	vpush v2, $0xD;
	_ =	sdelay $0xe  }
0x2ad: {  	s2 =	spop (v2sf)  }
0x2ae: {  	p1 =	seq.s32 s2, $0x0  }
.Ltmp34:
0x2af: {  	_ = 	snop;
	(pc) =	sbr.rel @p1 .LBB2_70-.Ltmp34, $1  }
0x2b0: {  	_ =	sdelay $0x3  }
0x2b1: {  	s2 =	sadd.s32 $0x5, s2  }
0x2b2: {  	s4 =	sshll.u32 s2, $0xB;
	s2 =	sshll.u32 s2, $0x7  }
0x2b3: {  	s4 =	sand.u32 $0xFFFFC000, s4;
	s2 =	sand.u32 $0x380, s2  }
0x2b4: {  	s17 =	simm.s32 $0x0;
	s2 =	sor.u32 s2, s4  }
0x2b5: {  	s25 =	sand.u32 $0x3C00, s17;
	s4 =	sadd.s32 $0xC400, s2  }
0x2b6: {  	s24 =	sand.u32 $0x70, s17;
	s2 =	sadd.s32 s25, s4  }
0x2b7: {  	s2 =	sadd.s32 s24, s2  }
0x2b8: {  	v3 =	vld [tilespmem:s2+$0x0]  }
0x2b9: {  	s26 =	simm.s32 $0x10;
	s28 =	simm.s32 $0x80  }
.LBB2_68:
0x2ba: {  	s2 =	sand.u32 $0x3C00, s28;
	p1 =	sne.s32 s26, $0x7F0  }
0x2bb: {  	s17 =	smov.u32 s26;
	s26 =	sadd.s32 $0x10, s26;
	s25 =	sor.u32 s24, s25  }
.Ltmp35:
0x2bc: {  	s29 =	sadd.s32 s2, s4;
	s24 =	sand.u32 $0x70, s17;
	(pc) =	sbr.rel @p1 .LBB2_68-.Ltmp35, $3  }
0x2bd: {  	s17 =	sadd.s32 s24, s29;
	[tilespmem:s25+$0xC680] =	vst v3;
	s25 =	smov.u32 s2  }
0x2be: {  	v3 =	vld [tilespmem:s17+$0x0];
	_ =	sdelay $0x1  }
0x2bf: {  	s28 =	sadd.s32 $0x80, s28  }
0x2c0: {  	_ = 	snop  }
0x2c1: {  	s2 =	sor.u32 s24, s25  }
0x2c2: {  	[tilespmem:s2+$0xC680] =	vst v3  }
.LBB2_70:
0x2c3: {  	(v2sf) =	vpush v2, $0xF;
	_ =	sdelay $0xe  }
0x2c4: {  	s2 =	spop (v2sf)  }
0x2c5: {  	p1 =	seq.s32 s2, $0x0  }
.Ltmp36:
0x2c6: {  	_ = 	snop;
	(pc) =	sbr.rel @p1 .LBB2_74-.Ltmp36, $1  }
0x2c7: {  	_ =	sdelay $0x3  }
0x2c8: {  	s2 =	sadd.s32 $0x7, s2  }
0x2c9: {  	s4 =	sshll.u32 s2, $0xB;
	s2 =	sshll.u32 s2, $0x7  }
0x2ca: {  	s4 =	sand.u32 $0xFFFFC000, s4;
	s2 =	sand.u32 $0x380, s2  }
0x2cb: {  	s25 =	simm.s32 $0x0;
	s2 =	sor.u32 s2, s4  }
0x2cc: {  	s31 =	sand.u32 $0x3C00, s25;
	s4 =	sadd.s32 $0xC400, s2  }
0x2cd: {  	s17 =	sand.u32 $0x70, s25;
	s2 =	sadd.s32 s31, s4  }
0x2ce: {  	s24 =	simm.s32 $0x10;
	s2 =	sadd.s32 s17, s2  }
0x2cf: {  	s26 =	simm.s32 $0x80;
	s28 =	simm.s32 $0x0;
	v2 =	vld [tilespmem:s2+$0x0];
	s2 =	sand.u32 $0x7, s25  }
.LBB2_72:
0x2d0: {  	s17 =	sand.u32 $0x3C00, s26  }
0x2d1: {  	s2 =	sshll.u32 s2, $0x4;
	s29 =	smov.u32 s24;
	p1 =	sne.s32 s24, $0x7F0  }
.Ltmp37:
0x2d2: {  	s24 =	sadd.s32 $0x10, s24;
	s2 =	sadd.s32 s2, s25;
	(pc) =	sbr.rel @p1 .LBB2_72-.Ltmp37, $4  }
0x2d3: {  	s25 =	sand.u32 $0x70, s29;
	s17 =	sadd.s32 s17, s4;
	s2 =	sor.u32 $0x380, s2  }
0x2d4: {  	s17 =	sadd.s32 s25, s17;
	s25 =	smov.u32 s26;
	[tilespmem:s2+$0xC400] =	vst v2  }
0x2d5: {  	s28 =	sadd.s32 $0x1, s28;
	v2 =	vld [tilespmem:s17+$0x0]  }
0x2d6: {  	s26 =	sadd.s32 $0x80, s26;
	s2 =	sand.u32 $0x7, s28  }
0x2d7: {  	s2 =	sshll.u32 s2, $0x4  }
0x2d8: {  	s2 =	sadd.s32 s2, s25  }
0x2d9: {  	s2 =	sor.u32 $0x380, s2  }
0x2da: {  	[tilespmem:s2+$0xC400] =	vst v2  }
.LBB2_74:
.Ltmp38:
0x2db: {  	(pc) =	sbr.rel @p0 .LBB2_76-.Ltmp38, $3  }
0x2dc: {  	_ =	sdelay $0x1  }
0x2dd: {  	s2 =	sadd.s32 s19, s15;
	s4 =	simm.s32 $0xC400  }
0x2de: {  	[hbm4b:s2+s5] =	stream.linear.scatter [tilespmem:s4], [sflag:$0x8], $0x4000, $0x38;
	[tilespmem:$0x10400] =	vst v63  }
0x2df: {  	_ =	swait.ge [sflag:s16], $0x4000  }
0x2e0: {  	[sflag:s16] =	ssyncset.done $0x0  }
0x2e1: {  	[sflag:s16] =	ssyncadd.s32 $0xFFFFC000  }
0x2e2: {  	v2 =	vld.msk [tilespmem:s7+$0x30], $0xff;
	_ =	sdelay $0x4  }
0x2e3: {  	v3 =	vshll.u32 v2, $0x4  }
0x2e4: {  	v2 =	vand.u32 $0x7, v2;
	v3 =	vand.u32 $0xFFFFFF80, v3  }
0x2e5: {  	v2 =	vor.u32 v2, v3  }
0x2e6: {  	v2 =	vperm.xlane v2, v0;
	_ =	sdelay $0x1  }
0x2e7: {  	v2 =	vadd.s32 v1, v2;
	_ =	sdelay $0x4  }
0x2e8: {  	[tilespmem:s23], [sflag:$0x3] =	stream.indirect_vreg.gather [hbm4b:s1+s5], $0x80, v2, vm0, $0xb8;
	[tilespmem:$0x10400] =	vst v63  }
0x2e9: {  	s2 =	simm.s32 $0x8C00  }
0x2ea: {  	[tilespmem:s2], [sflag:$0x3] =	stream.indirect_vreg.gather [hbm4b:s8+s5], $0x80, v2, vm0, $0xb8;
	[tilespmem:$0x10400] =	vst v63  }
0x2eb: {  	s25 =	simm.s32 $0x9400  }
0x2ec: {  	[tilespmem:s25], [sflag:$0x3] =	stream.indirect_vreg.gather [hbm4b:s9+s5], $0x80, v2, vm0, $0xb8;
	[tilespmem:$0x10400] =	vst v63  }
0x2ed: {  	s26 =	simm.s32 $0x9C00  }
0x2ee: {  	[tilespmem:s26], [sflag:$0x3] =	stream.indirect_vreg.gather [hbm4b:s10+s5], $0x80, v2, vm0, $0xb8;
	[tilespmem:$0x10400] =	vst v63  }
0x2ef: {  	s28 =	simm.s32 $0xA400  }
0x2f0: {  	[tilespmem:s28], [sflag:$0x3] =	stream.indirect_vreg.gather [hbm4b:s11+s5], $0x80, v2, vm0, $0xb8;
	[tilespmem:$0x10400] =	vst v63  }
0x2f1: {  	s29 =	simm.s32 $0xAC00  }
0x2f2: {  	[tilespmem:s29], [sflag:$0x3] =	stream.indirect_vreg.gather [hbm4b:s12+s5], $0x80, v2, vm0, $0xb8;
	[tilespmem:$0x10400] =	vst v63  }
.Ltmp39:
0x2f3: {  	_ = 	snop;
	(pc) =	sbr.rel .LBB2_2-.Ltmp39, $4  }
0x2f4: {  	s30 =	simm.s32 $0xB400  }
0x2f5: {  	[tilespmem:s30], [sflag:$0x3] =	stream.indirect_vreg.gather [hbm4b:s13+s5], $0x80, v2, vm0, $0xb8;
	[tilespmem:$0x10400] =	vst v63  }
0x2f6: {  	s31 =	simm.s32 $0xBC00;
	s6 =	sadd.s32 $0x1, s6  }
0x2f7: {  	[tilespmem:s31], [sflag:$0x3] =	stream.indirect_vreg.gather [hbm4b:s14+s5], $0x80, v2, vm0, $0xb8;
	[tilespmem:$0x10400] =	vst v63  }
.LBB2_77:
0x2f8: {  	_ =	sfence.sel $0x180000  }
0x2f9: {  	[bflag:$0x0] =	sbarrier.arrive $0xFFFF  }
0x2fa: {  	_ =	strace $0x90000047  }
0x2fb: {  	s0 =	stileid.u32;
	[bflag:$0x2] =	sbarrier.arrive $0xFFFF  }
0x2fc: {  	p0 =	sne.s32 s0, $0x0;
	s0 =	rddreg [dreg:$0x3]  }
0x2fd: {  	s0 =	sadd.s32 @!p0 $0x100000, s0  }
0x2fe: {  	[sflag:s0] =	ssyncadd.tile.s32 @!p0 $0x1;
	_ =	shalt  }
.Lfunc_end2:
_tile_overlayer_lowered:
.L_overlay_start_2:
0x2ff: {  	(tag) =	ssettag $0x2  }
0x300: {  	s0 =	rddreg [dreg:$0x0];
	s2 =	stileid.u32  }
0x301: {  	s1 =	rddreg [dreg:$0x1];
	p0 =	sne.s32 s2, $0x0  }
0x302: {  	s3 =	rddreg [dreg:$0x2];
	[bflag:$0x3] =	sbarrier.arrive $0xFFFF;
	s2 =	simm.s32 @!p0 $0x1C09  }
0x303: {  	[timem:s3], [sflag:s2] =	dma.local @!p0 [hbm:s0], s1  }
0x304: {  	s0 =	simm.s32 @!p0 $0x9  }
0x305: {  	_ =	swait.ge @!p0 [sflag:s0], s1  }
0x306: {  	s1 =	ssub.s32 @!p0 $0x0, s1;
	[sflag:s0] =	ssyncset.done @!p0 $0x0  }
0x307: {  	[sflag:s0] =	ssyncadd.s32 @!p0 s1  }
0x308: {  	[bflag:$0x3] =	sbarrier.arrive $0xFFFF  }
0x309: {  	_ =	shalt  }

</sc_bundles>
